<compile_context>
chip_gen: v7x
topology: tpu7x:2x2x1
jax: 0.10.2.dev20260603
libtpu: 0.0.44.dev20260713+nightly
codegen_flags: <defaults>
</compile_context>

<pallas_src>
import functools

import jax
import jax.numpy as jnp
from jax import lax
from jax.experimental import pallas as pl
from jax.experimental.pallas import tpu as pltpu
from jax.experimental.pallas import tpu_sc as plsc

N = 10000
E = 320000
D = 128
KS = 512
KF = 128
ALPHA = 0.2

DP = D
NC = 2
NS = 16
NW = NC * NS
EPW = E // NW
CH = 80
NCHUNK = EPW // CH
N_PAD = 10240
ROWS_PT = N_PAD // NS

_NEG_BIG = -3.0e38



def _semb_kernel(sa_ref, rf_ref, o_ref):
    o_ref[...] = lax.dot_general(sa_ref[...], rf_ref[...], (((0,), (0,)), ((), ())))


def _dot00_kernel(a_ref, b_ref, o_ref):
    o_ref[...] = lax.dot_general(a_ref[...], b_ref[...], (((0,), (0,)), ((), ())))


def _dot11_kernel(a_ref, o_ref):
    x = a_ref[...]
    o_ref[...] = lax.dot_general(x, x, (((1,), (1,)), ((), ())))


def _dot_kernel(a_ref, b_ref, o_ref):
    o_ref[...] = jnp.dot(a_ref[...], b_ref[...])


def _dot_bias_kernel(a_ref, b_ref, c_ref, o_ref):
    o_ref[...] = jnp.dot(a_ref[...], b_ref[...]) + c_ref[...]


def _fm_kernel(fnc_ref, fe1_ref, fd_ref, se_ref, o_ref):
    fnc_message = jnp.dot(fnc_ref[...], fe1_ref[...]) / fd_ref[...]
    o_ref[...] = se_ref[...] + 0.15 * fnc_message


def _rf_kernel(sa_ref, rfeat_ref, se3_ref, o_ref):
    sm = jnp.dot(sa_ref[...], se3_ref[...])
    o_ref[...] = rfeat_ref[...] + 0.5 * sm


def _node_kernel(rf_ref, wg_ref, ap_ref, hpad_ref, s12_ref):
    h = jnp.dot(rf_ref[...], wg_ref[...])
    hpad_ref[...] = h
    s12_ref[...] = jnp.dot(h, ap_ref[...])


def _finish_kernel(p_ref, rs_ref, o_ref):
    hp = p_ref[0] + p_ref[1]
    rs = jnp.sum(rs_ref[...], axis=0)
    x = hp / (rs[:, None] + 1e-15)
    o_ref[...] = jnp.where(x > 0.0, x, jnp.exp(x) - 1.0)



def _sc_max_body(src_hbm, dst_hbm, s12_hbm, mx_hbm, eva_hbm,
                 s1_v, s2_v, src_v, dst_v, eva_v, st_v):
    cid = lax.axis_index("c")
    sid = lax.axis_index("s")
    wid = cid * NS + sid
    pltpu.sync_copy(s12_hbm.at[0], s1_v)
    pltpu.sync_copy(s12_hbm.at[1], s2_v)
    base = wid * EPW
    CB = 2000

    def chunk(c, mx):
        pltpu.sync_copy(src_hbm.at[pl.ds(base + c * CB, CB)], src_v)
        pltpu.sync_copy(dst_hbm.at[pl.ds(base + c * CB, CB)], dst_v)

        def grp(g, mx):
            sv = src_v[pl.ds(g * 16, 16)]
            dv = dst_v[pl.ds(g * 16, 16)]
            v = plsc.load_gather(s1_v, [sv]) + plsc.load_gather(s2_v, [dv])
            eva = jnp.maximum(v, ALPHA * v)
            eva_v[pl.ds(g * 16, 16)] = eva
            return jnp.maximum(mx, eva)

        mx = lax.fori_loop(0, CB // 16, grp, mx)
        pltpu.sync_copy(eva_v, eva_hbm.at[pl.ds(base + c * CB, CB)])
        return mx

    mx = lax.fori_loop(0, EPW // CB, chunk,
                       jnp.full((16,), _NEG_BIG, jnp.float32))
    st_v[...] = mx
    pltpu.sync_copy(st_v, mx_hbm.at[wid])


def _sc_acc_body(src_hbm, dst_hbm, eva_hbm, hpad_hbm, mx_hbm, part_hbm, rsp_hbm,
                 src_c, dst_c, w_v, rows_v, mx_v, rs_v, acc_sh, sem):
    cid = lax.axis_index("c")
    sid = lax.axis_index("s")
    wid = cid * NS + sid

    def zrow(i, _):
        for k in range(DP // 16):
            rows_v[i, pl.ds(k * 16, 16)] = jnp.zeros((16,), jnp.float32)
        return 0

    lax.fori_loop(0, CH, zrow, 0)
    for j in range(ROWS_PT // CH):
        pltpu.sync_copy(rows_v, acc_sh.at[pl.ds(sid * ROWS_PT + j * CH, CH)])

    def zrs(i, _):
        rs_v[pl.ds(i * 16, 16)] = jnp.zeros((16,), jnp.float32)
        return 0

    lax.fori_loop(0, N_PAD // 16, zrs, 0)
    plsc.subcore_barrier()

    pltpu.sync_copy(mx_hbm, mx_v)

    def mrow(i, m):
        return jnp.maximum(m, mx_v[i])

    mvec = lax.fori_loop(0, NW, mrow, jnp.full((16,), _NEG_BIG, jnp.float32))
    M = jnp.max(mvec)

    base = wid * EPW

    def chunk(c, _):
        pltpu.sync_copy(src_hbm.at[pl.ds(base + c * CH, CH)], src_c)
        pltpu.sync_copy(dst_hbm.at[pl.ds(base + c * CH, CH)], dst_c)
        pltpu.sync_copy(eva_hbm.at[pl.ds(base + c * CH, CH)], w_v)
        pltpu.async_copy(hpad_hbm.at[dst_c], rows_v, sem).wait()

        def grp(g, _):
            w_v[pl.ds(g * 16, 16)] = jnp.exp(w_v[pl.ds(g * 16, 16)] - M)
            return 0

        lax.fori_loop(0, CH // 16, grp, 0)

        def scale(e, _):
            eidx = jnp.full((16,), e, jnp.int32)
            w = plsc.load_gather(w_v, [eidx])
            for k in range(DP // 16):
                rows_v[e, pl.ds(k * 16, 16)] = rows_v[e, pl.ds(k * 16, 16)] * w
            si = plsc.load_gather(src_c, [eidx])
            old = plsc.load_gather(rs_v, [si])
            plsc.store_scatter(rs_v, [si], old + w)
            return 0

        lax.fori_loop(0, CH, scale, 0)
        pltpu.sync_copy(rows_v, acc_sh.at[src_c], add=True)
        return 0

    lax.fori_loop(0, NCHUNK, chunk, 0)
    pltpu.sync_copy(rs_v, rsp_hbm.at[wid])
    plsc.subcore_barrier()
    pltpu.sync_copy(acc_sh.at[pl.ds(sid * ROWS_PT, ROWS_PT)],
                    part_hbm.at[cid, pl.ds(sid * ROWS_PT, ROWS_PT)])



def kernel(struct_adj, raw_feat, edge_index, struct_assign, fnc_assign,
           W_fg, b_fg, W_sg, b_sg, W_gat, a_gat, W_lc, b_lc, W_ls, b_ls):
    BN = 1000
    eyeS = jnp.eye(KS, dtype=jnp.float32)
    eyeF = jnp.eye(KF, dtype=jnp.float32)

    sa = struct_assign / (jax.nn.relu(jnp.sum(struct_assign, 0) - 1.0) + 1.0)
    fa = fnc_assign / (jax.nn.relu(jnp.sum(fnc_assign, 0) - 1.0) + 1.0)

    def _single(body, out_shape, *args):
        return pl.pallas_call(
            body, out_shape=jax.ShapeDtypeStruct(out_shape, jnp.float32))(*args)

    struct_emb = _single(_semb_kernel, (KS, D), sa, raw_feat)
    fnc_emb0 = _single(_dot00_kernel, (KF, D), fa, struct_emb)
    logits = _single(_dot11_kernel, (KF, KF), fnc_emb0)

    fnc_adj2 = jax.nn.sigmoid(logits) + eyeF + eyeF
    deg_f = jnp.sum(jnp.abs(fnc_adj2), axis=-1)
    ds_f = deg_f ** -0.5
    norm_f = ds_f[:, None] * fnc_adj2 * ds_f[None, :]
    fdenom = (jax.nn.relu(jnp.sum(fa, 1) - 1.0) + 1.0)[:, None]

    support_f = _single(_dot_kernel, (KF, D), fnc_emb0, W_fg)
    fnc_emb1 = _single(_dot_bias_kernel, (KF, D), norm_f, support_f, b_fg)
    struct_emb2 = _single(_fm_kernel, (KS, D), fnc_assign, fnc_emb1, fdenom,
                          struct_emb)

    sadj = jax.nn.relu(struct_adj - eyeS * 10000.0) + eyeS
    adj_post = sadj + eyeS
    deg_s = jnp.sum(jnp.abs(adj_post), axis=-1)
    ds_s = deg_s ** -0.5
    norm_s = ds_s[:, None] * adj_post * ds_s[None, :]

    support_s = _single(_dot_kernel, (KS, D), struct_emb2, W_sg)
    struct_emb3 = _single(_dot_bias_kernel, (KS, D), norm_s, support_s, b_sg)

    rf = pl.pallas_call(
        _rf_kernel, grid=(N // BN,),
        in_specs=[pl.BlockSpec((BN, KS), lambda i: (i, 0)),
                  pl.BlockSpec((BN, D), lambda i: (i, 0)),
                  pl.BlockSpec((KS, D), lambda i: (0, 0))],
        out_specs=pl.BlockSpec((BN, D), lambda i: (i, 0)),
        out_shape=jax.ShapeDtypeStruct((N, D), jnp.float32),
    )(struct_assign, raw_feat, struct_emb3)

    a_pad = jnp.concatenate(
        [a_gat[0, :D][:, None], a_gat[0, D:][:, None],
         jnp.zeros((D, 6), jnp.float32)], axis=1)
    hpad, s12n = pl.pallas_call(
        _node_kernel, grid=(N // BN,),
        in_specs=[pl.BlockSpec((BN, D), lambda i: (i, 0)),
                  pl.BlockSpec((D, D), lambda i: (0, 0)),
                  pl.BlockSpec((D, 8), lambda i: (0, 0))],
        out_specs=[pl.BlockSpec((BN, DP), lambda i: (i, 0)),
                   pl.BlockSpec((BN, 8), lambda i: (i, 0))],
        out_shape=[jax.ShapeDtypeStruct((N, DP), jnp.float32),
                   jax.ShapeDtypeStruct((N, 8), jnp.float32)],
    )(rf, W_gat, a_pad)
    s12 = jnp.stack([s12n[:, 0], s12n[:, 1]], axis=0)

    src = edge_index[0]
    dst = edge_index[1]

    mesh = plsc.VectorSubcoreMesh(core_axis_name="c", subcore_axis_name="s")
    sc_params = pltpu.CompilerParams(needs_layout_passes=False)
    maxes, eva = pl.kernel(
        _sc_max_body, mesh=mesh, compiler_params=sc_params,
        out_type=[jax.ShapeDtypeStruct((NW, 16), jnp.float32),
                  jax.ShapeDtypeStruct((E,), jnp.float32)],
        scratch_types=[
            pltpu.VMEM((N,), jnp.float32),
            pltpu.VMEM((N,), jnp.float32),
            pltpu.VMEM((2000,), jnp.int32),
            pltpu.VMEM((2000,), jnp.int32),
            pltpu.VMEM((2000,), jnp.float32),
            pltpu.VMEM((16,), jnp.float32),
        ],
    )(src, dst, s12)

    part, rs_part = pl.kernel(
        _sc_acc_body, mesh=mesh, compiler_params=sc_params,
        out_type=[jax.ShapeDtypeStruct((NC, N_PAD, DP), jnp.float32),
                  jax.ShapeDtypeStruct((NW, N_PAD), jnp.float32)],
        scratch_types=[
            pltpu.VMEM((CH,), jnp.int32),
            pltpu.VMEM((CH,), jnp.int32),
            pltpu.VMEM((CH,), jnp.float32),
            pltpu.VMEM((CH, DP), jnp.float32),
            pltpu.VMEM((NW, 16), jnp.float32),
            pltpu.VMEM((N_PAD,), jnp.float32),
            pltpu.VMEM_SHARED((N_PAD, DP), jnp.float32),
            pltpu.SemaphoreType.DMA,
        ],
    )(src, dst, eva, hpad, maxes)

    BF = 1280
    out_pad = pl.pallas_call(
        _finish_kernel, grid=(N_PAD // BF,),
        in_specs=[pl.BlockSpec((NC, BF, DP), lambda i: (0, i, 0)),
                  pl.BlockSpec((NW, BF), lambda i: (0, i))],
        out_specs=pl.BlockSpec((BF, D), lambda i: (i, 0)),
        out_shape=jax.ShapeDtypeStruct((N_PAD, D), jnp.float32),
    )(part, rs_part)
    return out_pad[:N]

# --- scband reference (transcript-rebuilt; emitter-appended) ---
"""Pipeline reference for scband-hrnr-6751688589918 (READ-ONLY COPY).

The authoritative reference and input builder live on the scoring server;
editing this copy changes nothing except your own understanding.
"""

import jax, jax.numpy as jnp
import numpy as np

N = 10000
E = 320000
D = 128
KS = 512
KF = 128
ALPHA = 0.2


def setup_inputs(seed: int = 0) -> dict:
    key = jax.random.key(seed)
    ks = jax.random.split(key, 16)
    struct_adj = jax.random.uniform(ks[0], (KS, KS), dtype=jnp.float32)
    raw_feat = jax.random.normal(ks[1], (N, D), dtype=jnp.float32)
    edge_index = jax.random.randint(ks[2], (2, E), 0, N, dtype=jnp.int32)
    struct_assign = jax.random.uniform(ks[3], (N, KS), dtype=jnp.float32)
    fnc_assign = jax.random.uniform(ks[4], (KS, KF), dtype=jnp.float32)
    # GraphConvolution params (uniform(-0.5, 0.5) as in reset_parameters)
    W_fg = jax.random.uniform(ks[5], (D, D), minval=-0.5, maxval=0.5, dtype=jnp.float32)
    b_fg = jax.random.uniform(ks[6], (D,), minval=-0.5, maxval=0.5, dtype=jnp.float32)
    W_sg = jax.random.uniform(ks[7], (D, D), minval=-0.5, maxval=0.5, dtype=jnp.float32)
    b_sg = jax.random.uniform(ks[8], (D,), minval=-0.5, maxval=0.5, dtype=jnp.float32)
    # SPGAT params (xavier_normal)
    W_gat = jax.random.normal(ks[9], (D, D), dtype=jnp.float32) * (1.414 * (2.0 / (D + D)) ** 0.5)
    a_gat = jax.random.normal(ks[10], (1, 2 * D), dtype=jnp.float32) * (1.414 * (2.0 / (1 + 2 * D)) ** 0.5)
    # gating linears
    W_lc = jax.random.normal(ks[11], (2 * D, 1), dtype=jnp.float32) * 0.05
    b_lc = jnp.zeros((1,), dtype=jnp.float32)
    W_ls = jax.random.normal(ks[12], (2 * D, 1), dtype=jnp.float32) * 0.05
    b_ls = jnp.zeros((1,), dtype=jnp.float32)
    return {"struct_adj": struct_adj, "raw_feat": raw_feat, "edge_index": edge_index,
            "struct_assign": struct_assign, "fnc_assign": fnc_assign,
            "W_fg": W_fg, "b_fg": b_fg, "W_sg": W_sg, "b_sg": b_sg,
            "W_gat": W_gat, "a_gat": a_gat, "W_lc": W_lc, "b_lc": b_lc,
            "W_ls": W_ls, "b_ls": b_ls}


def _gcn(inputs, adj, W, b):
    # inputs: [1, K, D], adj: [1, K, K]; output = norm(adj) @ (inputs @ W) + b
    support = jnp.matmul(inputs, W)
    K = adj.shape[-1]
    adj_post = adj + jnp.eye(K, dtype=adj.dtype)[None]
    deg_abs = jnp.sum(jnp.abs(adj_post), axis=-1)
    deg_abs_sqrt = deg_abs ** -0.5
    norm_adj = deg_abs_sqrt[..., :, None] * adj_post * deg_abs_sqrt[..., None, :]
    out = jnp.matmul(norm_adj, support)
    return out + b


def _spgat(inputs, edge_index, W, a):
    # SPGAT forward, dropout = identity (eval mode)
    n = inputs.shape[0]
    h = jnp.matmul(inputs, W)
    src = edge_index[0]
    dst = edge_index[1]
    edge_h = jnp.concatenate([h[src], h[dst]], axis=1)  # [E, 2D]
    values = jnp.matmul(edge_h, a.T)[:, 0]  # a @ edge_h.T squeezed
    edge_value_a = jnp.where(values > 0, values, ALPHA * values)  # LeakyReLU
    edge_value = jnp.exp(edge_value_a - jnp.max(edge_value_a))
    e_rowsum = jax.ops.segment_sum(edge_value, src, num_segments=n)[:, None]
    h_prime = jax.ops.segment_sum(edge_value[:, None] * h[dst], src, num_segments=n)
    h_prime = h_prime / (e_rowsum + 1e-15)
    return jax.nn.elu(h_prime)


def reference(struct_adj, raw_feat, edge_index, struct_assign, fnc_assign,
              W_fg, b_fg, W_sg, b_sg, W_gat, a_gat, W_lc, b_lc, W_ls, b_ls):
    raw_struct_assign = struct_assign
    raw_fnc_assign = fnc_assign
    sa = struct_assign / (jax.nn.relu(jnp.sum(struct_assign, 0) - 1.0) + 1.0)
    fa = fnc_assign / (jax.nn.relu(jnp.sum(fnc_assign, 0) - 1.0) + 1.0)
    struct_emb = jnp.matmul(sa.T, raw_feat)  # [KS, D]
    fnc_emb = jnp.matmul(fa.T, struct_emb)  # [KF, D]
    fnc_adj = jax.nn.sigmoid(jnp.matmul(fnc_emb, fnc_emb.T)) + jnp.eye(KF, dtype=jnp.float32)
    fnc_emb = _gcn(fnc_emb[None], fnc_adj[None], W_fg, b_fg)[0]
    fnc_message = jnp.matmul(raw_fnc_assign, fnc_emb) / (jax.nn.relu(jnp.sum(fa, 1) - 1.0) + 1.0)[:, None]
    r_f = jax.nn.sigmoid(jnp.matmul(jnp.concatenate([struct_emb, fnc_message], 1), W_lc) + b_lc)
    struct_emb = struct_emb + 0.15 * fnc_message
    sadj = jax.nn.relu(struct_adj - jnp.eye(KS, dtype=jnp.float32) * 10000.0) + jnp.eye(KS, dtype=jnp.float32)
    struct_emb = _gcn(struct_emb[None], sadj[None], W_sg, b_sg)[0]
    struct_message = jnp.matmul(raw_struct_assign, struct_emb)  # [N, D]
    r_s = jax.nn.sigmoid(jnp.matmul(jnp.concatenate([raw_feat, struct_message], 1), W_ls) + b_ls)
    rf = raw_feat + 0.5 * struct_message
    out = _spgat(rf, edge_index, W_gat, a_gat)
    return out

if __name__ == "__main__":
    import jax
    _d = setup_inputs()
    print(jax.jit(kernel)(*tuple(_d.values())))

</pallas_src>

<mosaic_0001>
#map = affine_map<(d0, d1) -> (0)>
#map1 = affine_map<(d0, d1) -> (0, 0)>
#map2 = affine_map<(d0, d1) -> (0, 0, 0)>
module attributes {stable_mosaic.version = 14 : i64} {
  func.func @_sc_acc_body(%arg0: i32, %arg1: i32, %arg2: memref<320000xi32, #tpu.memory_space<hbm>>, %arg3: memref<320000xi32, #tpu.memory_space<hbm>>, %arg4: memref<320000xf32, #tpu.memory_space<hbm>>, %arg5: memref<10000x128xf32, #tpu.memory_space<hbm>>, %arg6: memref<32x16xf32, #tpu.memory_space<hbm>>, %arg7: memref<2x10240x128xf32, #tpu.memory_space<hbm>>, %arg8: memref<32x10240xf32, #tpu.memory_space<hbm>>, %arg9: memref<80xi32, #tpu.memory_space<vmem>>, %arg10: memref<80xi32, #tpu.memory_space<vmem>>, %arg11: memref<80xf32, #tpu.memory_space<vmem>>, %arg12: memref<80x128xf32, #tpu.memory_space<vmem>>, %arg13: memref<32x16xf32, #tpu.memory_space<vmem>>, %arg14: memref<10240xf32, #tpu.memory_space<vmem>>, %arg15: memref<10240x128xf32, #tpu.memory_space<vmem_shared>>, %arg16: memref<!tpu.dma_semaphore, #tpu.memory_space<semaphore_mem>>) attributes {dimension_semantics = [#tpu.dimension_semantics<core_parallel>, #tpu.dimension_semantics<subcore_parallel>], iteration_bounds = array<i64: 2, 16>, scalar_prefetch = 0 : i64, scratch_operands = 8 : i64, tpu.core_type = #tpu.core_type<sc_vector_subcore>, window_params = [{transform_indices = #map}, {transform_indices = #map}, {transform_indices = #map}, {transform_indices = #map1}, {transform_indices = #map1}, {transform_indices = #map2}, {transform_indices = #map1}]} {
    %mul3A = arith.constant 16 : i32
    %mul3A_0 = arith.muli %arg0, %mul3A : i32
    %add3A = arith.addi %mul3A_0, %arg1 : i32
    %scan3A = arith.constant 0 : i32
    %scan3A_1 = arith.constant 0 : i32
    %scan3A_2 = arith.constant 80 : i32
    %scan3A_3 = arith.addi %scan3A_1, %scan3A_2 : i32
    %scan3A_4 = arith.constant 1 : i32
    %scan3A_5 = scf.for %scan3A_70 = %scan3A_1 to %scan3A_3 step %scan3A_4 iter_args(%scan3A_71 = %scan3A) -> (i32)  : i32 {
      %broadcast_in_dim3A_72 = arith.constant 0.000000e+00 : f32
      %broadcast_in_dim3A_73 = vector.broadcast %broadcast_in_dim3A_72 : f32 to vector<16xf32>
      %swap3A = arith.index_cast %scan3A_70 : i32 to index
      %swap3A_74 = arith.constant 0 : index
      %swap3A_75 = tpu.vector_load %arg12[%swap3A, %swap3A_74] {strides = array<i32>} : memref<80x128xf32, #tpu.memory_space<vmem>>, vector<16xf32>,
      tpu.vector_store %arg12[%swap3A, %swap3A_74], %broadcast_in_dim3A_73 {strides = array<i32>} : memref<80x128xf32, #tpu.memory_space<vmem>>, vector<16xf32>,
      %broadcast_in_dim3A_76 = arith.constant 0.000000e+00 : f32
      %broadcast_in_dim3A_77 = vector.broadcast %broadcast_in_dim3A_76 : f32 to vector<16xf32>
      %swap3A_78 = arith.index_cast %scan3A_70 : i32 to index
      %swap3A_79 = arith.constant 16 : index
      %swap3A_80 = tpu.vector_load %arg12[%swap3A_78, %swap3A_79] {strides = array<i32>} : memref<80x128xf32, #tpu.memory_space<vmem>>, vector<16xf32>,
      tpu.vector_store %arg12[%swap3A_78, %swap3A_79], %broadcast_in_dim3A_77 {strides = array<i32>} : memref<80x128xf32, #tpu.memory_space<vmem>>, vector<16xf32>,
      %broadcast_in_dim3A_81 = arith.constant 0.000000e+00 : f32
      %broadcast_in_dim3A_82 = vector.broadcast %broadcast_in_dim3A_81 : f32 to vector<16xf32>
      %swap3A_83 = arith.index_cast %scan3A_70 : i32 to index
      %swap3A_84 = arith.constant 32 : index
      %swap3A_85 = tpu.vector_load %arg12[%swap3A_83, %swap3A_84] {strides = array<i32>} : memref<80x128xf32, #tpu.memory_space<vmem>>, vector<16xf32>,
      tpu.vector_store %arg12[%swap3A_83, %swap3A_84], %broadcast_in_dim3A_82 {strides = array<i32>} : memref<80x128xf32, #tpu.memory_space<vmem>>, vector<16xf32>,
      %broadcast_in_dim3A_86 = arith.constant 0.000000e+00 : f32
      %broadcast_in_dim3A_87 = vector.broadcast %broadcast_in_dim3A_86 : f32 to vector<16xf32>
      %swap3A_88 = arith.index_cast %scan3A_70 : i32 to index
      %swap3A_89 = arith.constant 48 : index
      %swap3A_90 = tpu.vector_load %arg12[%swap3A_88, %swap3A_89] {strides = array<i32>} : memref<80x128xf32, #tpu.memory_space<vmem>>, vector<16xf32>,
      tpu.vector_store %arg12[%swap3A_88, %swap3A_89], %broadcast_in_dim3A_87 {strides = array<i32>} : memref<80x128xf32, #tpu.memory_space<vmem>>, vector<16xf32>,
      %broadcast_in_dim3A_91 = arith.constant 0.000000e+00 : f32
      %broadcast_in_dim3A_92 = vector.broadcast %broadcast_in_dim3A_91 : f32 to vector<16xf32>
      %swap3A_93 = arith.index_cast %scan3A_70 : i32 to index
      %swap3A_94 = arith.constant 64 : index
      %swap3A_95 = tpu.vector_load %arg12[%swap3A_93, %swap3A_94] {strides = array<i32>} : memref<80x128xf32, #tpu.memory_space<vmem>>, vector<16xf32>,
      tpu.vector_store %arg12[%swap3A_93, %swap3A_94], %broadcast_in_dim3A_92 {strides = array<i32>} : memref<80x128xf32, #tpu.memory_space<vmem>>, vector<16xf32>,
      %broadcast_in_dim3A_96 = arith.constant 0.000000e+00 : f32
      %broadcast_in_dim3A_97 = vector.broadcast %broadcast_in_dim3A_96 : f32 to vector<16xf32>
      %swap3A_98 = arith.index_cast %scan3A_70 : i32 to index
      %swap3A_99 = arith.constant 80 : index
      %swap3A_100 = tpu.vector_load %arg12[%swap3A_98, %swap3A_99] {strides = array<i32>} : memref<80x128xf32, #tpu.memory_space<vmem>>, vector<16xf32>,
      tpu.vector_store %arg12[%swap3A_98, %swap3A_99], %broadcast_in_dim3A_97 {strides = array<i32>} : memref<80x128xf32, #tpu.memory_space<vmem>>, vector<16xf32>,
      %broadcast_in_dim3A_101 = arith.constant 0.000000e+00 : f32
      %broadcast_in_dim3A_102 = vector.broadcast %broadcast_in_dim3A_101 : f32 to vector<16xf32>
      %swap3A_103 = arith.index_cast %scan3A_70 : i32 to index
      %swap3A_104 = arith.constant 96 : index
      %swap3A_105 = tpu.vector_load %arg12[%swap3A_103, %swap3A_104] {strides = array<i32>} : memref<80x128xf32, #tpu.memory_space<vmem>>, vector<16xf32>,
      tpu.vector_store %arg12[%swap3A_103, %swap3A_104], %broadcast_in_dim3A_102 {strides = array<i32>} : memref<80x128xf32, #tpu.memory_space<vmem>>, vector<16xf32>,
      %broadcast_in_dim3A_106 = arith.constant 0.000000e+00 : f32
      %broadcast_in_dim3A_107 = vector.broadcast %broadcast_in_dim3A_106 : f32 to vector<16xf32>
      %swap3A_108 = arith.index_cast %scan3A_70 : i32 to index
      %swap3A_109 = arith.constant 112 : index
      %swap3A_110 = tpu.vector_load %arg12[%swap3A_108, %swap3A_109] {strides = array<i32>} : memref<80x128xf32, #tpu.memory_space<vmem>>, vector<16xf32>,
      tpu.vector_store %arg12[%swap3A_108, %swap3A_109], %broadcast_in_dim3A_107 {strides = array<i32>} : memref<80x128xf32, #tpu.memory_space<vmem>>, vector<16xf32>,
      %scan3A_111 = arith.constant 0 : i32
      scf.yield %scan3A_111 : i32
    }
    %scan3A_6 = arith.constant 80 : i32
    %mul3A_7 = arith.constant 640 : i32
    %mul3A_8 = arith.muli %arg1, %mul3A_7 : i32
    %add3A_9 = arith.constant 0 : i32
    %add3A_10 = arith.addi %mul3A_8, %add3A_9 : i32
    "tpu.region"() ({
      %run_scoped3A = tpu.sem_alloc : memref<!tpu.dma_semaphore, #tpu.memory_space<semaphore_mem>>
      %dma_start3A = arith.constant 0 : i32
      %dma_start3A_70 = tpu.memref_slice %arg15[%add3A_10, %dma_start3A] : memref<10240x128xf32, #tpu.memory_space<vmem_shared>> -> memref<80x128xf32, #tpu.memory_space<vmem_shared>>
      %dma_start3A_71 = arith.constant 0 : i32
      %dma_start3A_72 = tpu.memref_slice %arg15[%add3A_10, %dma_start3A_71] : memref<10240x128xf32, #tpu.memory_space<vmem_shared>> -> memref<80x128xf32, #tpu.memory_space<vmem_shared>>
      tpu.enqueue_dma source(%arg12 : memref<80x128xf32, #tpu.memory_space<vmem>>) target(%dma_start3A_72 : memref<80x128xf32, #tpu.memory_space<vmem_shared>>) target_semaphore(%run_scoped3A : memref<!tpu.dma_semaphore, #tpu.memory_space<semaphore_mem>>)
      %dma_wait3A = arith.constant 0 : i32
      %dma_wait3A_73 = tpu.memref_slice %arg15[%add3A_10, %dma_wait3A] : memref<10240x128xf32, #tpu.memory_space<vmem_shared>> -> memref<80x128xf32, #tpu.memory_space<vmem_shared>>
      %dma_wait3A_74 = arith.constant 0 : i32
      %dma_wait3A_75 = tpu.memref_slice %arg15[%add3A_10, %dma_wait3A_74] : memref<10240x128xf32, #tpu.memory_space<vmem_shared>> -> memref<80x128xf32, #tpu.memory_space<vmem_shared>>
      tpu.wait_dma2 semaphore(%run_scoped3A : memref<!tpu.dma_semaphore, #tpu.memory_space<semaphore_mem>>) src(%arg12 : memref<80x128xf32, #tpu.memory_space<vmem>>) dst(%dma_wait3A_75 : memref<80x128xf32, #tpu.memory_space<vmem_shared>>)
      tpu.yield
    }) : () -> ()
    %mul3A_11 = arith.constant 640 : i32
    %mul3A_12 = arith.muli %arg1, %mul3A_11 : i32
    %add3A_13 = arith.constant 80 : i32
    %add3A_14 = arith.addi %mul3A_12, %add3A_13 : i32
    "tpu.region"() ({
      %run_scoped3A = tpu.sem_alloc : memref<!tpu.dma_semaphore, #tpu.memory_space<semaphore_mem>>
      %dma_start3A = arith.constant 0 : i32
      %dma_start3A_70 = tpu.memref_slice %arg15[%add3A_14, %dma_start3A] : memref<10240x128xf32, #tpu.memory_space<vmem_shared>> -> memref<80x128xf32, #tpu.memory_space<vmem_shared>>
      %dma_start3A_71 = arith.constant 0 : i32
      %dma_start3A_72 = tpu.memref_slice %arg15[%add3A_14, %dma_start3A_71] : memref<10240x128xf32, #tpu.memory_space<vmem_shared>> -> memref<80x128xf32, #tpu.memory_space<vmem_shared>>
      tpu.enqueue_dma source(%arg12 : memref<80x128xf32, #tpu.memory_space<vmem>>) target(%dma_start3A_72 : memref<80x128xf32, #tpu.memory_space<vmem_shared>>) target_semaphore(%run_scoped3A : memref<!tpu.dma_semaphore, #tpu.memory_space<semaphore_mem>>)
      %dma_wait3A = arith.constant 0 : i32
      %dma_wait3A_73 = tpu.memref_slice %arg15[%add3A_14, %dma_wait3A] : memref<10240x128xf32, #tpu.memory_space<vmem_shared>> -> memref<80x128xf32, #tpu.memory_space<vmem_shared>>
      %dma_wait3A_74 = arith.constant 0 : i32
      %dma_wait3A_75 = tpu.memref_slice %arg15[%add3A_14, %dma_wait3A_74] : memref<10240x128xf32, #tpu.memory_space<vmem_shared>> -> memref<80x128xf32, #tpu.memory_space<vmem_shared>>
      tpu.wait_dma2 semaphore(%run_scoped3A : memref<!tpu.dma_semaphore, #tpu.memory_space<semaphore_mem>>) src(%arg12 : memref<80x128xf32, #tpu.memory_space<vmem>>) dst(%dma_wait3A_75 : memref<80x128xf32, #tpu.memory_space<vmem_shared>>)
      tpu.yield
    }) : () -> ()
    %mul3A_15 = arith.constant 640 : i32
    %mul3A_16 = arith.muli %arg1, %mul3A_15 : i32
    %add3A_17 = arith.constant 160 : i32
    %add3A_18 = arith.addi %mul3A_16, %add3A_17 : i32
    "tpu.region"() ({
      %run_scoped3A = tpu.sem_alloc : memref<!tpu.dma_semaphore, #tpu.memory_space<semaphore_mem>>
      %dma_start3A = arith.constant 0 : i32
      %dma_start3A_70 = tpu.memref_slice %arg15[%add3A_18, %dma_start3A] : memref<10240x128xf32, #tpu.memory_space<vmem_shared>> -> memref<80x128xf32, #tpu.memory_space<vmem_shared>>
      %dma_start3A_71 = arith.constant 0 : i32
      %dma_start3A_72 = tpu.memref_slice %arg15[%add3A_18, %dma_start3A_71] : memref<10240x128xf32, #tpu.memory_space<vmem_shared>> -> memref<80x128xf32, #tpu.memory_space<vmem_shared>>
      tpu.enqueue_dma source(%arg12 : memref<80x128xf32, #tpu.memory_space<vmem>>) target(%dma_start3A_72 : memref<80x128xf32, #tpu.memory_space<vmem_shared>>) target_semaphore(%run_scoped3A : memref<!tpu.dma_semaphore, #tpu.memory_space<semaphore_mem>>)
      %dma_wait3A = arith.constant 0 : i32
      %dma_wait3A_73 = tpu.memref_slice %arg15[%add3A_18, %dma_wait3A] : memref<10240x128xf32, #tpu.memory_space<vmem_shared>> -> memref<80x128xf32, #tpu.memory_space<vmem_shared>>
      %dma_wait3A_74 = arith.constant 0 : i32
      %dma_wait3A_75 = tpu.memref_slice %arg15[%add3A_18, %dma_wait3A_74] : memref<10240x128xf32, #tpu.memory_space<vmem_shared>> -> memref<80x128xf32, #tpu.memory_space<vmem_shared>>
      tpu.wait_dma2 semaphore(%run_scoped3A : memref<!tpu.dma_semaphore, #tpu.memory_space<semaphore_mem>>) src(%arg12 : memref<80x128xf32, #tpu.memory_space<vmem>>) dst(%dma_wait3A_75 : memref<80x128xf32, #tpu.memory_space<vmem_shared>>)
      tpu.yield
    }) : () -> ()
    %mul3A_19 = arith.constant 640 : i32
    %mul3A_20 = arith.muli %arg1, %mul3A_19 : i32
    %add3A_21 = arith.constant 240 : i32
    %add3A_22 = arith.addi %mul3A_20, %add3A_21 : i32
    "tpu.region"() ({
      %run_scoped3A = tpu.sem_alloc : memref<!tpu.dma_semaphore, #tpu.memory_space<semaphore_mem>>
      %dma_start3A = arith.constant 0 : i32
      %dma_start3A_70 = tpu.memref_slice %arg15[%add3A_22, %dma_start3A] : memref<10240x128xf32, #tpu.memory_space<vmem_shared>> -> memref<80x128xf32, #tpu.memory_space<vmem_shared>>
      %dma_start3A_71 = arith.constant 0 : i32
      %dma_start3A_72 = tpu.memref_slice %arg15[%add3A_22, %dma_start3A_71] : memref<10240x128xf32, #tpu.memory_space<vmem_shared>> -> memref<80x128xf32, #tpu.memory_space<vmem_shared>>
      tpu.enqueue_dma source(%arg12 : memref<80x128xf32, #tpu.memory_space<vmem>>) target(%dma_start3A_72 : memref<80x128xf32, #tpu.memory_space<vmem_shared>>) target_semaphore(%run_scoped3A : memref<!tpu.dma_semaphore, #tpu.memory_space<semaphore_mem>>)
      %dma_wait3A = arith.constant 0 : i32
      %dma_wait3A_73 = tpu.memref_slice %arg15[%add3A_22, %dma_wait3A] : memref<10240x128xf32, #tpu.memory_space<vmem_shared>> -> memref<80x128xf32, #tpu.memory_space<vmem_shared>>
      %dma_wait3A_74 = arith.constant 0 : i32
      %dma_wait3A_75 = tpu.memref_slice %arg15[%add3A_22, %dma_wait3A_74] : memref<10240x128xf32, #tpu.memory_space<vmem_shared>> -> memref<80x128xf32, #tpu.memory_space<vmem_shared>>
      tpu.wait_dma2 semaphore(%run_scoped3A : memref<!tpu.dma_semaphore, #tpu.memory_space<semaphore_mem>>) src(%arg12 : memref<80x128xf32, #tpu.memory_space<vmem>>) dst(%dma_wait3A_75 : memref<80x128xf32, #tpu.memory_space<vmem_shared>>)
      tpu.yield
    }) : () -> ()
    %mul3A_23 = arith.constant 640 : i32
    %mul3A_24 = arith.muli %arg1, %mul3A_23 : i32
    %add3A_25 = arith.constant 320 : i32
    %add3A_26 = arith.addi %mul3A_24, %add3A_25 : i32
    "tpu.region"() ({
      %run_scoped3A = tpu.sem_alloc : memref<!tpu.dma_semaphore, #tpu.memory_space<semaphore_mem>>
      %dma_start3A = arith.constant 0 : i32
      %dma_start3A_70 = tpu.memref_slice %arg15[%add3A_26, %dma_start3A] : memref<10240x128xf32, #tpu.memory_space<vmem_shared>> -> memref<80x128xf32, #tpu.memory_space<vmem_shared>>
      %dma_start3A_71 = arith.constant 0 : i32
      %dma_start3A_72 = tpu.memref_slice %arg15[%add3A_26, %dma_start3A_71] : memref<10240x128xf32, #tpu.memory_space<vmem_shared>> -> memref<80x128xf32, #tpu.memory_space<vmem_shared>>
      tpu.enqueue_dma source(%arg12 : memref<80x128xf32, #tpu.memory_space<vmem>>) target(%dma_start3A_72 : memref<80x128xf32, #tpu.memory_space<vmem_shared>>) target_semaphore(%run_scoped3A : memref<!tpu.dma_semaphore, #tpu.memory_space<semaphore_mem>>)
      %dma_wait3A = arith.constant 0 : i32
      %dma_wait3A_73 = tpu.memref_slice %arg15[%add3A_26, %dma_wait3A] : memref<10240x128xf32, #tpu.memory_space<vmem_shared>> -> memref<80x128xf32, #tpu.memory_space<vmem_shared>>
      %dma_wait3A_74 = arith.constant 0 : i32
      %dma_wait3A_75 = tpu.memref_slice %arg15[%add3A_26, %dma_wait3A_74] : memref<10240x128xf32, #tpu.memory_space<vmem_shared>> -> memref<80x128xf32, #tpu.memory_space<vmem_shared>>
      tpu.wait_dma2 semaphore(%run_scoped3A : memref<!tpu.dma_semaphore, #tpu.memory_space<semaphore_mem>>) src(%arg12 : memref<80x128xf32, #tpu.memory_space<vmem>>) dst(%dma_wait3A_75 : memref<80x128xf32, #tpu.memory_space<vmem_shared>>)
      tpu.yield
    }) : () -> ()
    %mul3A_27 = arith.constant 640 : i32
    %mul3A_28 = arith.muli %arg1, %mul3A_27 : i32
    %add3A_29 = arith.constant 400 : i32
    %add3A_30 = arith.addi %mul3A_28, %add3A_29 : i32
    "tpu.region"() ({
      %run_scoped3A = tpu.sem_alloc : memref<!tpu.dma_semaphore, #tpu.memory_space<semaphore_mem>>
      %dma_start3A = arith.constant 0 : i32
      %dma_start3A_70 = tpu.memref_slice %arg15[%add3A_30, %dma_start3A] : memref<10240x128xf32, #tpu.memory_space<vmem_shared>> -> memref<80x128xf32, #tpu.memory_space<vmem_shared>>
      %dma_start3A_71 = arith.constant 0 : i32
      %dma_start3A_72 = tpu.memref_slice %arg15[%add3A_30, %dma_start3A_71] : memref<10240x128xf32, #tpu.memory_space<vmem_shared>> -> memref<80x128xf32, #tpu.memory_space<vmem_shared>>
      tpu.enqueue_dma source(%arg12 : memref<80x128xf32, #tpu.memory_space<vmem>>) target(%dma_start3A_72 : memref<80x128xf32, #tpu.memory_space<vmem_shared>>) target_semaphore(%run_scoped3A : memref<!tpu.dma_semaphore, #tpu.memory_space<semaphore_mem>>)
      %dma_wait3A = arith.constant 0 : i32
      %dma_wait3A_73 = tpu.memref_slice %arg15[%add3A_30, %dma_wait3A] : memref<10240x128xf32, #tpu.memory_space<vmem_shared>> -> memref<80x128xf32, #tpu.memory_space<vmem_shared>>
      %dma_wait3A_74 = arith.constant 0 : i32
      %dma_wait3A_75 = tpu.memref_slice %arg15[%add3A_30, %dma_wait3A_74] : memref<10240x128xf32, #tpu.memory_space<vmem_shared>> -> memref<80x128xf32, #tpu.memory_space<vmem_shared>>
      tpu.wait_dma2 semaphore(%run_scoped3A : memref<!tpu.dma_semaphore, #tpu.memory_space<semaphore_mem>>) src(%arg12 : memref<80x128xf32, #tpu.memory_space<vmem>>) dst(%dma_wait3A_75 : memref<80x128xf32, #tpu.memory_space<vmem_shared>>)
      tpu.yield
    }) : () -> ()
    %mul3A_31 = arith.constant 640 : i32
    %mul3A_32 = arith.muli %arg1, %mul3A_31 : i32
    %add3A_33 = arith.constant 480 : i32
    %add3A_34 = arith.addi %mul3A_32, %add3A_33 : i32
    "tpu.region"() ({
      %run_scoped3A = tpu.sem_alloc : memref<!tpu.dma_semaphore, #tpu.memory_space<semaphore_mem>>
      %dma_start3A = arith.constant 0 : i32
      %dma_start3A_70 = tpu.memref_slice %arg15[%add3A_34, %dma_start3A] : memref<10240x128xf32, #tpu.memory_space<vmem_shared>> -> memref<80x128xf32, #tpu.memory_space<vmem_shared>>
      %dma_start3A_71 = arith.constant 0 : i32
      %dma_start3A_72 = tpu.memref_slice %arg15[%add3A_34, %dma_start3A_71] : memref<10240x128xf32, #tpu.memory_space<vmem_shared>> -> memref<80x128xf32, #tpu.memory_space<vmem_shared>>
      tpu.enqueue_dma source(%arg12 : memref<80x128xf32, #tpu.memory_space<vmem>>) target(%dma_start3A_72 : memref<80x128xf32, #tpu.memory_space<vmem_shared>>) target_semaphore(%run_scoped3A : memref<!tpu.dma_semaphore, #tpu.memory_space<semaphore_mem>>)
      %dma_wait3A = arith.constant 0 : i32
      %dma_wait3A_73 = tpu.memref_slice %arg15[%add3A_34, %dma_wait3A] : memref<10240x128xf32, #tpu.memory_space<vmem_shared>> -> memref<80x128xf32, #tpu.memory_space<vmem_shared>>
      %dma_wait3A_74 = arith.constant 0 : i32
      %dma_wait3A_75 = tpu.memref_slice %arg15[%add3A_34, %dma_wait3A_74] : memref<10240x128xf32, #tpu.memory_space<vmem_shared>> -> memref<80x128xf32, #tpu.memory_space<vmem_shared>>
      tpu.wait_dma2 semaphore(%run_scoped3A : memref<!tpu.dma_semaphore, #tpu.memory_space<semaphore_mem>>) src(%arg12 : memref<80x128xf32, #tpu.memory_space<vmem>>) dst(%dma_wait3A_75 : memref<80x128xf32, #tpu.memory_space<vmem_shared>>)
      tpu.yield
    }) : () -> ()
    %mul3A_35 = arith.constant 640 : i32
    %mul3A_36 = arith.muli %arg1, %mul3A_35 : i32
    %add3A_37 = arith.constant 560 : i32
    %add3A_38 = arith.addi %mul3A_36, %add3A_37 : i32
    "tpu.region"() ({
      %run_scoped3A = tpu.sem_alloc : memref<!tpu.dma_semaphore, #tpu.memory_space<semaphore_mem>>
      %dma_start3A = arith.constant 0 : i32
      %dma_start3A_70 = tpu.memref_slice %arg15[%add3A_38, %dma_start3A] : memref<10240x128xf32, #tpu.memory_space<vmem_shared>> -> memref<80x128xf32, #tpu.memory_space<vmem_shared>>
      %dma_start3A_71 = arith.constant 0 : i32
      %dma_start3A_72 = tpu.memref_slice %arg15[%add3A_38, %dma_start3A_71] : memref<10240x128xf32, #tpu.memory_space<vmem_shared>> -> memref<80x128xf32, #tpu.memory_space<vmem_shared>>
      tpu.enqueue_dma source(%arg12 : memref<80x128xf32, #tpu.memory_space<vmem>>) target(%dma_start3A_72 : memref<80x128xf32, #tpu.memory_space<vmem_shared>>) target_semaphore(%run_scoped3A : memref<!tpu.dma_semaphore, #tpu.memory_space<semaphore_mem>>)
      %dma_wait3A = arith.constant 0 : i32
      %dma_wait3A_73 = tpu.memref_slice %arg15[%add3A_38, %dma_wait3A] : memref<10240x128xf32, #tpu.memory_space<vmem_shared>> -> memref<80x128xf32, #tpu.memory_space<vmem_shared>>
      %dma_wait3A_74 = arith.constant 0 : i32
      %dma_wait3A_75 = tpu.memref_slice %arg15[%add3A_38, %dma_wait3A_74] : memref<10240x128xf32, #tpu.memory_space<vmem_shared>> -> memref<80x128xf32, #tpu.memory_space<vmem_shared>>
      tpu.wait_dma2 semaphore(%run_scoped3A : memref<!tpu.dma_semaphore, #tpu.memory_space<semaphore_mem>>) src(%arg12 : memref<80x128xf32, #tpu.memory_space<vmem>>) dst(%dma_wait3A_75 : memref<80x128xf32, #tpu.memory_space<vmem_shared>>)
      tpu.yield
    }) : () -> ()
    %scan3A_39 = arith.constant 0 : i32
    %scan3A_40 = arith.constant 0 : i32
    %scan3A_41 = arith.constant 640 : i32
    %scan3A_42 = arith.addi %scan3A_40, %scan3A_41 : i32
    %scan3A_43 = arith.constant 1 : i32
    %scan3A_44 = scf.for %scan3A_70 = %scan3A_40 to %scan3A_42 step %scan3A_43 iter_args(%scan3A_71 = %scan3A_39) -> (i32)  : i32 {
      %broadcast_in_dim3A_72 = arith.constant 0.000000e+00 : f32
      %broadcast_in_dim3A_73 = vector.broadcast %broadcast_in_dim3A_72 : f32 to vector<16xf32>
      %mul3A_74 = arith.constant 16 : i32
      %mul3A_75 = arith.muli %scan3A_70, %mul3A_74 : i32
      %swap3A = arith.index_cast %mul3A_75 : i32 to index
      %swap3A_76 = tpu.vector_load %arg14[%swap3A] {strides = array<i32>} : memref<10240xf32, #tpu.memory_space<vmem>>, vector<16xf32>,
      tpu.vector_store %arg14[%swap3A], %broadcast_in_dim3A_73 {strides = array<i32>} : memref<10240xf32, #tpu.memory_space<vmem>>, vector<16xf32>,
      %scan3A_77 = arith.constant 0 : i32
      scf.yield %scan3A_77 : i32
    }
    %scan3A_45 = arith.constant 640 : i32
    %barrier3A = arith.constant 0 : index
    tpu.barrier barrier_id(%barrier3A)
    "tpu.region"() ({
      %run_scoped3A = tpu.sem_alloc : memref<!tpu.dma_semaphore, #tpu.memory_space<semaphore_mem>>
      tpu.enqueue_dma source(%arg6 : memref<32x16xf32, #tpu.memory_space<hbm>>) target(%arg13 : memref<32x16xf32, #tpu.memory_space<vmem>>) target_semaphore(%run_scoped3A : memref<!tpu.dma_semaphore, #tpu.memory_space<semaphore_mem>>)
      tpu.wait_dma2 semaphore(%run_scoped3A : memref<!tpu.dma_semaphore, #tpu.memory_space<semaphore_mem>>) src(%arg6 : memref<32x16xf32, #tpu.memory_space<hbm>>) dst(%arg13 : memref<32x16xf32, #tpu.memory_space<vmem>>)
      tpu.yield
    }) : () -> ()
    %broadcast_in_dim3A = arith.constant -3.000000e+38 : f32
    %broadcast_in_dim3A_46 = vector.broadcast %broadcast_in_dim3A : f32 to vector<16xf32>
    %scan3A_47 = arith.constant 0 : i32
    %scan3A_48 = arith.constant 32 : i32
    %scan3A_49 = arith.addi %scan3A_47, %scan3A_48 : i32
    %scan3A_50 = arith.constant 1 : i32
    %scan3A_51 = scf.for %scan3A_70 = %scan3A_47 to %scan3A_49 step %scan3A_50 iter_args(%scan3A_71 = %broadcast_in_dim3A_46) -> (vector<16xf32>)  : i32 {
      %get3A = arith.index_cast %scan3A_70 : i32 to index
      %get3A_72 = arith.constant 0 : index
      %get3A_73 = tpu.vector_load %arg13[%get3A, %get3A_72] {strides = array<i32>} : memref<32x16xf32, #tpu.memory_space<vmem>>, vector<16xf32>,
      %max3A = arith.maximumf %scan3A_71, %get3A_73 : vector<16xf32>
      scf.yield %max3A : vector<16xf32>
    }
    %scan3A_52 = arith.constant 32 : i32
    %reduce_max3A = arith.constant true
    %reduce_max3A_53 = vector.broadcast %reduce_max3A : i1 to vector<16xi1>
    %reduce_max3A_54 = tpu.scan <max>, %scan3A_51 masked %reduce_max3A_53 : vector<16xf32>, vector<16xi1> -> vector<16xf32>
    %reduce_max3A_55 = vector.extract %reduce_max3A_54[15] : f32 from vector<16xf32>
    %mul3A_56 = arith.constant 10000 : i32
    %mul3A_57 = arith.muli %add3A, %mul3A_56 : i32
    %scan3A_58 = arith.constant 0 : i32
    %scan3A_59 = arith.constant 0 : i32
    %scan3A_60 = arith.constant 125 : i32
    %scan3A_61 = arith.addi %scan3A_59, %scan3A_60 : i32
    %scan3A_62 = arith.constant 1 : i32
    %scan3A_63 = scf.for %scan3A_70 = %scan3A_59 to %scan3A_61 step %scan3A_62 iter_args(%scan3A_71 = %scan3A_58) -> (i32)  : i32 {
      %mul3A_72 = arith.constant 80 : i32
      %mul3A_73 = arith.muli %scan3A_70, %mul3A_72 : i32
      %add3A_74 = arith.addi %mul3A_57, %mul3A_73 : i32
      "tpu.region"() ({
        %run_scoped3A = tpu.sem_alloc : memref<!tpu.dma_semaphore, #tpu.memory_space<semaphore_mem>>
        %dma_start3A_100 = tpu.memref_slice %arg2[%add3A_74] : memref<320000xi32, #tpu.memory_space<hbm>> -> memref<80xi32, #tpu.memory_space<hbm>>
        %dma_start3A_101 = tpu.memref_slice %arg2[%add3A_74] : memref<320000xi32, #tpu.memory_space<hbm>> -> memref<80xi32, #tpu.memory_space<hbm>>
        tpu.enqueue_dma source(%dma_start3A_101 : memref<80xi32, #tpu.memory_space<hbm>>) target(%arg9 : memref<80xi32, #tpu.memory_space<vmem>>) target_semaphore(%run_scoped3A : memref<!tpu.dma_semaphore, #tpu.memory_space<semaphore_mem>>)
        %dma_wait3A_102 = tpu.memref_slice %arg2[%add3A_74] : memref<320000xi32, #tpu.memory_space<hbm>> -> memref<80xi32, #tpu.memory_space<hbm>>
        %dma_wait3A_103 = tpu.memref_slice %arg2[%add3A_74] : memref<320000xi32, #tpu.memory_space<hbm>> -> memref<80xi32, #tpu.memory_space<hbm>>
        tpu.wait_dma2 semaphore(%run_scoped3A : memref<!tpu.dma_semaphore, #tpu.memory_space<semaphore_mem>>) src(%dma_wait3A_103 : memref<80xi32, #tpu.memory_space<hbm>>) dst(%arg9 : memref<80xi32, #tpu.memory_space<vmem>>)
        tpu.yield
      }) : () -> ()
      %mul3A_75 = arith.constant 80 : i32
      %mul3A_76 = arith.muli %scan3A_70, %mul3A_75 : i32
      %add3A_77 = arith.addi %mul3A_57, %mul3A_76 : i32
      "tpu.region"() ({
        %run_scoped3A = tpu.sem_alloc : memref<!tpu.dma_semaphore, #tpu.memory_space<semaphore_mem>>
        %dma_start3A_100 = tpu.memref_slice %arg3[%add3A_77] : memref<320000xi32, #tpu.memory_space<hbm>> -> memref<80xi32, #tpu.memory_space<hbm>>
        %dma_start3A_101 = tpu.memref_slice %arg3[%add3A_77] : memref<320000xi32, #tpu.memory_space<hbm>> -> memref<80xi32, #tpu.memory_space<hbm>>
        tpu.enqueue_dma source(%dma_start3A_101 : memref<80xi32, #tpu.memory_space<hbm>>) target(%arg10 : memref<80xi32, #tpu.memory_space<vmem>>) target_semaphore(%run_scoped3A : memref<!tpu.dma_semaphore, #tpu.memory_space<semaphore_mem>>)
        %dma_wait3A_102 = tpu.memref_slice %arg3[%add3A_77] : memref<320000xi32, #tpu.memory_space<hbm>> -> memref<80xi32, #tpu.memory_space<hbm>>
        %dma_wait3A_103 = tpu.memref_slice %arg3[%add3A_77] : memref<320000xi32, #tpu.memory_space<hbm>> -> memref<80xi32, #tpu.memory_space<hbm>>
        tpu.wait_dma2 semaphore(%run_scoped3A : memref<!tpu.dma_semaphore, #tpu.memory_space<semaphore_mem>>) src(%dma_wait3A_103 : memref<80xi32, #tpu.memory_space<hbm>>) dst(%arg10 : memref<80xi32, #tpu.memory_space<vmem>>)
        tpu.yield
      }) : () -> ()
      %mul3A_78 = arith.constant 80 : i32
      %mul3A_79 = arith.muli %scan3A_70, %mul3A_78 : i32
      %add3A_80 = arith.addi %mul3A_57, %mul3A_79 : i32
      "tpu.region"() ({
        %run_scoped3A = tpu.sem_alloc : memref<!tpu.dma_semaphore, #tpu.memory_space<semaphore_mem>>
        %dma_start3A_100 = tpu.memref_slice %arg4[%add3A_80] : memref<320000xf32, #tpu.memory_space<hbm>> -> memref<80xf32, #tpu.memory_space<hbm>>
        %dma_start3A_101 = tpu.memref_slice %arg4[%add3A_80] : memref<320000xf32, #tpu.memory_space<hbm>> -> memref<80xf32, #tpu.memory_space<hbm>>
        tpu.enqueue_dma source(%dma_start3A_101 : memref<80xf32, #tpu.memory_space<hbm>>) target(%arg11 : memref<80xf32, #tpu.memory_space<vmem>>) target_semaphore(%run_scoped3A : memref<!tpu.dma_semaphore, #tpu.memory_space<semaphore_mem>>)
        %dma_wait3A_102 = tpu.memref_slice %arg4[%add3A_80] : memref<320000xf32, #tpu.memory_space<hbm>> -> memref<80xf32, #tpu.memory_space<hbm>>
        %dma_wait3A_103 = tpu.memref_slice %arg4[%add3A_80] : memref<320000xf32, #tpu.memory_space<hbm>> -> memref<80xf32, #tpu.memory_space<hbm>>
        tpu.wait_dma2 semaphore(%run_scoped3A : memref<!tpu.dma_semaphore, #tpu.memory_space<semaphore_mem>>) src(%dma_wait3A_103 : memref<80xf32, #tpu.memory_space<hbm>>) dst(%arg11 : memref<80xf32, #tpu.memory_space<vmem>>)
        tpu.yield
      }) : () -> ()
      %dma_start3A = arith.constant 0 : i32
      %dma_start3A_81 = arith.constant 0 : i32
      %dma_start3A_82 = tpu.memref_slice %arg5[%dma_start3A, %dma_start3A_81] : memref<10000x128xf32, #tpu.memory_space<hbm>> -> memref<10000x128xf32, #tpu.memory_space<hbm>>
      tpu.enqueue_indirect_dma source(%dma_start3A_82 : memref<10000x128xf32, #tpu.memory_space<hbm>>) target(%arg12 : memref<80x128xf32, #tpu.memory_space<vmem>>) offsets(%arg10 : memref<80xi32, #tpu.memory_space<vmem>>) semaphore(%arg16 : memref<!tpu.dma_semaphore, #tpu.memory_space<semaphore_mem>>)
      %dma_wait3A = arith.constant 0 : i32
      %dma_wait3A_83 = arith.constant 0 : i32
      %dma_wait3A_84 = tpu.memref_slice %arg5[%dma_wait3A, %dma_wait3A_83] : memref<10000x128xf32, #tpu.memory_space<hbm>> -> memref<10000x128xf32, #tpu.memory_space<hbm>>
      tpu.wait_indirect_dma semaphore(%arg16 : memref<!tpu.dma_semaphore, #tpu.memory_space<semaphore_mem>>) src(%dma_wait3A_84 : memref<10000x128xf32, #tpu.memory_space<hbm>>) dst(%arg12 : memref<80x128xf32, #tpu.memory_space<vmem>>)
      %scan3A_85 = arith.constant 0 : i32
      %scan3A_86 = arith.constant 0 : i32
      %scan3A_87 = arith.constant 5 : i32
      %scan3A_88 = arith.addi %scan3A_86, %scan3A_87 : i32
      %scan3A_89 = arith.constant 1 : i32
      %scan3A_90 = scf.for %scan3A_100 = %scan3A_86 to %scan3A_88 step %scan3A_89 iter_args(%scan3A_101 = %scan3A_85) -> (i32)  : i32 {
        %mul3A_102 = arith.constant 16 : i32
        %mul3A_103 = arith.muli %scan3A_100, %mul3A_102 : i32
        %get3A = arith.index_cast %mul3A_103 : i32 to index
        %get3A_104 = tpu.vector_load %arg11[%get3A] {strides = array<i32>} : memref<80xf32, #tpu.memory_space<vmem>>, vector<16xf32>,
        %sub3A = vector.broadcast %reduce_max3A_55 : f32 to vector<16xf32>
        %sub3A_105 = arith.subf %get3A_104, %sub3A : vector<16xf32>
        %exp3A = math.exp %sub3A_105 : vector<16xf32>
        %mul3A_106 = arith.constant 16 : i32
        %mul3A_107 = arith.muli %scan3A_100, %mul3A_106 : i32
        %swap3A = arith.index_cast %mul3A_107 : i32 to index
        %swap3A_108 = tpu.vector_load %arg11[%swap3A] {strides = array<i32>} : memref<80xf32, #tpu.memory_space<vmem>>, vector<16xf32>,
        tpu.vector_store %arg11[%swap3A], %exp3A {strides = array<i32>} : memref<80xf32, #tpu.memory_space<vmem>>, vector<16xf32>,
        %scan3A_109 = arith.constant 0 : i32
        scf.yield %scan3A_109 : i32
      }
      %scan3A_91 = arith.constant 5 : i32
      %scan3A_92 = arith.constant 0 : i32
      %scan3A_93 = arith.constant 0 : i32
      %scan3A_94 = arith.constant 80 : i32
      %scan3A_95 = arith.addi %scan3A_93, %scan3A_94 : i32
      %scan3A_96 = arith.constant 1 : i32
      %scan3A_97 = scf.for %scan3A_100 = %scan3A_93 to %scan3A_95 step %scan3A_96 iter_args(%scan3A_101 = %scan3A_92) -> (i32)  : i32 {
        %broadcast_in_dim3A_102 = vector.broadcast %scan3A_100 : i32 to vector<16xi32>
        %gather3A = tpu.vector_load_idx %arg11[%broadcast_in_dim3A_102] : memref<80xf32, #tpu.memory_space<vmem>>[vector<16xi32>], vector<16xf32>,
        %get3A = arith.index_cast %scan3A_100 : i32 to index
        %get3A_103 = arith.constant 0 : index
        %get3A_104 = tpu.vector_load %arg12[%get3A, %get3A_103] {strides = array<i32>} : memref<80x128xf32, #tpu.memory_space<vmem>>, vector<16xf32>,
        %mul3A_105 = arith.mulf %get3A_104, %gather3A : vector<16xf32>
        %swap3A = arith.index_cast %scan3A_100 : i32 to index
        %swap3A_106 = arith.constant 0 : index
        %swap3A_107 = tpu.vector_load %arg12[%swap3A, %swap3A_106] {strides = array<i32>} : memref<80x128xf32, #tpu.memory_space<vmem>>, vector<16xf32>,
        tpu.vector_store %arg12[%swap3A, %swap3A_106], %mul3A_105 {strides = array<i32>} : memref<80x128xf32, #tpu.memory_space<vmem>>, vector<16xf32>,
        %get3A_108 = arith.index_cast %scan3A_100 : i32 to index
        %get3A_109 = arith.constant 16 : index
        %get3A_110 = tpu.vector_load %arg12[%get3A_108, %get3A_109] {strides = array<i32>} : memref<80x128xf32, #tpu.memory_space<vmem>>, vector<16xf32>,
        %mul3A_111 = arith.mulf %get3A_110, %gather3A : vector<16xf32>
        %swap3A_112 = arith.index_cast %scan3A_100 : i32 to index
        %swap3A_113 = arith.constant 16 : index
        %swap3A_114 = tpu.vector_load %arg12[%swap3A_112, %swap3A_113] {strides = array<i32>} : memref<80x128xf32, #tpu.memory_space<vmem>>, vector<16xf32>,
        tpu.vector_store %arg12[%swap3A_112, %swap3A_113], %mul3A_111 {strides = array<i32>} : memref<80x128xf32, #tpu.memory_space<vmem>>, vector<16xf32>,
        %get3A_115 = arith.index_cast %scan3A_100 : i32 to index
        %get3A_116 = arith.constant 32 : index
        %get3A_117 = tpu.vector_load %arg12[%get3A_115, %get3A_116] {strides = array<i32>} : memref<80x128xf32, #tpu.memory_space<vmem>>, vector<16xf32>,
        %mul3A_118 = arith.mulf %get3A_117, %gather3A : vector<16xf32>
        %swap3A_119 = arith.index_cast %scan3A_100 : i32 to index
        %swap3A_120 = arith.constant 32 : index
        %swap3A_121 = tpu.vector_load %arg12[%swap3A_119, %swap3A_120] {strides = array<i32>} : memref<80x128xf32, #tpu.memory_space<vmem>>, vector<16xf32>,
        tpu.vector_store %arg12[%swap3A_119, %swap3A_120], %mul3A_118 {strides = array<i32>} : memref<80x128xf32, #tpu.memory_space<vmem>>, vector<16xf32>,
        %get3A_122 = arith.index_cast %scan3A_100 : i32 to index
        %get3A_123 = arith.constant 48 : index
        %get3A_124 = tpu.vector_load %arg12[%get3A_122, %get3A_123] {strides = array<i32>} : memref<80x128xf32, #tpu.memory_space<vmem>>, vector<16xf32>,
        %mul3A_125 = arith.mulf %get3A_124, %gather3A : vector<16xf32>
        %swap3A_126 = arith.index_cast %scan3A_100 : i32 to index
        %swap3A_127 = arith.constant 48 : index
        %swap3A_128 = tpu.vector_load %arg12[%swap3A_126, %swap3A_127] {strides = array<i32>} : memref<80x128xf32, #tpu.memory_space<vmem>>, vector<16xf32>,
        tpu.vector_store %arg12[%swap3A_126, %swap3A_127], %mul3A_125 {strides = array<i32>} : memref<80x128xf32, #tpu.memory_space<vmem>>, vector<16xf32>,
        %get3A_129 = arith.index_cast %scan3A_100 : i32 to index
        %get3A_130 = arith.constant 64 : index
        %get3A_131 = tpu.vector_load %arg12[%get3A_129, %get3A_130] {strides = array<i32>} : memref<80x128xf32, #tpu.memory_space<vmem>>, vector<16xf32>,
        %mul3A_132 = arith.mulf %get3A_131, %gather3A : vector<16xf32>
        %swap3A_133 = arith.index_cast %scan3A_100 : i32 to index
        %swap3A_134 = arith.constant 64 : index
        %swap3A_135 = tpu.vector_load %arg12[%swap3A_133, %swap3A_134] {strides = array<i32>} : memref<80x128xf32, #tpu.memory_space<vmem>>, vector<16xf32>,
        tpu.vector_store %arg12[%swap3A_133, %swap3A_134], %mul3A_132 {strides = array<i32>} : memref<80x128xf32, #tpu.memory_space<vmem>>, vector<16xf32>,
        %get3A_136 = arith.index_cast %scan3A_100 : i32 to index
        %get3A_137 = arith.constant 80 : index
        %get3A_138 = tpu.vector_load %arg12[%get3A_136, %get3A_137] {strides = array<i32>} : memref<80x128xf32, #tpu.memory_space<vmem>>, vector<16xf32>,
        %mul3A_139 = arith.mulf %get3A_138, %gather3A : vector<16xf32>
        %swap3A_140 = arith.index_cast %scan3A_100 : i32 to index
        %swap3A_141 = arith.constant 80 : index
        %swap3A_142 = tpu.vector_load %arg12[%swap3A_140, %swap3A_141] {strides = array<i32>} : memref<80x128xf32, #tpu.memory_space<vmem>>, vector<16xf32>,
        tpu.vector_store %arg12[%swap3A_140, %swap3A_141], %mul3A_139 {strides = array<i32>} : memref<80x128xf32, #tpu.memory_space<vmem>>, vector<16xf32>,
        %get3A_143 = arith.index_cast %scan3A_100 : i32 to index
        %get3A_144 = arith.constant 96 : index
        %get3A_145 = tpu.vector_load %arg12[%get3A_143, %get3A_144] {strides = array<i32>} : memref<80x128xf32, #tpu.memory_space<vmem>>, vector<16xf32>,
        %mul3A_146 = arith.mulf %get3A_145, %gather3A : vector<16xf32>
        %swap3A_147 = arith.index_cast %scan3A_100 : i32 to index
        %swap3A_148 = arith.constant 96 : index
        %swap3A_149 = tpu.vector_load %arg12[%swap3A_147, %swap3A_148] {strides = array<i32>} : memref<80x128xf32, #tpu.memory_space<vmem>>, vector<16xf32>,
        tpu.vector_store %arg12[%swap3A_147, %swap3A_148], %mul3A_146 {strides = array<i32>} : memref<80x128xf32, #tpu.memory_space<vmem>>, vector<16xf32>,
        %get3A_150 = arith.index_cast %scan3A_100 : i32 to index
        %get3A_151 = arith.constant 112 : index
        %get3A_152 = tpu.vector_load %arg12[%get3A_150, %get3A_151] {strides = array<i32>} : memref<80x128xf32, #tpu.memory_space<vmem>>, vector<16xf32>,
        %mul3A_153 = arith.mulf %get3A_152, %gather3A : vector<16xf32>
        %swap3A_154 = arith.index_cast %scan3A_100 : i32 to index
        %swap3A_155 = arith.constant 112 : index
        %swap3A_156 = tpu.vector_load %arg12[%swap3A_154, %swap3A_155] {strides = array<i32>} : memref<80x128xf32, #tpu.memory_space<vmem>>, vector<16xf32>,
        tpu.vector_store %arg12[%swap3A_154, %swap3A_155], %mul3A_153 {strides = array<i32>} : memref<80x128xf32, #tpu.memory_space<vmem>>, vector<16xf32>,
        %gather3A_157 = tpu.vector_load_idx %arg9[%broadcast_in_dim3A_102] : memref<80xi32, #tpu.memory_space<vmem>>[vector<16xi32>], vector<16xi32>,
        %gather3A_158 = tpu.vector_load_idx %arg14[%gather3A_157] : memref<10240xf32, #tpu.memory_space<vmem>>[vector<16xi32>], vector<16xf32>,
        %add3A_159 = arith.addf %gather3A_158, %gather3A : vector<16xf32>
        tpu.vector_store_idx %arg14[%gather3A_157], %add3A_159 : memref<10240xf32, #tpu.memory_space<vmem>>[vector<16xi32>], vector<16xf32>,
        %scan3A_160 = arith.constant 0 : i32
        scf.yield %scan3A_160 : i32
      }
      %scan3A_98 = arith.constant 80 : i32
      "tpu.region"() ({
        %run_scoped3A = tpu.sem_alloc : memref<!tpu.dma_semaphore, #tpu.memory_space<semaphore_mem>>
        %dma_start3A_100 = arith.constant 0 : i32
        %dma_start3A_101 = arith.constant 0 : i32
        %dma_start3A_102 = tpu.memref_slice %arg15[%dma_start3A_100, %dma_start3A_101] : memref<10240x128xf32, #tpu.memory_space<vmem_shared>> -> memref<10240x128xf32, #tpu.memory_space<vmem_shared>>
        tpu.enqueue_indirect_dma source(%arg12 : memref<80x128xf32, #tpu.memory_space<vmem>>) target(%dma_start3A_102 : memref<10240x128xf32, #tpu.memory_space<vmem_shared>>) offsets(%arg9 : memref<80xi32, #tpu.memory_space<vmem>>) semaphore(%run_scoped3A : memref<!tpu.dma_semaphore, #tpu.memory_space<semaphore_mem>>) {add = true}
        %dma_wait3A_103 = arith.constant 0 : i32
        %dma_wait3A_104 = arith.constant 0 : i32
        %dma_wait3A_105 = tpu.memref_slice %arg15[%dma_wait3A_103, %dma_wait3A_104] : memref<10240x128xf32, #tpu.memory_space<vmem_shared>> -> memref<10240x128xf32, #tpu.memory_space<vmem_shared>>
        tpu.wait_indirect_dma semaphore(%run_scoped3A : memref<!tpu.dma_semaphore, #tpu.memory_space<semaphore_mem>>) src(%arg12 : memref<80x128xf32, #tpu.memory_space<vmem>>) dst(%dma_wait3A_105 : memref<10240x128xf32, #tpu.memory_space<vmem_shared>>)
        tpu.yield
      }) : () -> ()
      %scan3A_99 = arith.constant 0 : i32
      scf.yield %scan3A_99 : i32
    }
    %scan3A_64 = arith.constant 125 : i32
    "tpu.region"() ({
      %run_scoped3A = tpu.sem_alloc : memref<!tpu.dma_semaphore, #tpu.memory_space<semaphore_mem>>
      %dma_start3A = arith.constant 0 : i32
      %dma_start3A_70 = tpu.memref_slice %arg8[%add3A, %dma_start3A] : memref<32x10240xf32, #tpu.memory_space<hbm>> -> memref<1x10240xf32, #tpu.memory_space<hbm>>
      %dma_start3A_71 = tpu.memref_squeeze %dma_start3A_70 : memref<1x10240xf32, #tpu.memory_space<hbm>> -> memref<10240xf32, #tpu.memory_space<hbm>>
      %dma_start3A_72 = arith.constant 0 : i32
      %dma_start3A_73 = tpu.memref_slice %arg8[%add3A, %dma_start3A_72] : memref<32x10240xf32, #tpu.memory_space<hbm>> -> memref<1x10240xf32, #tpu.memory_space<hbm>>
      %dma_start3A_74 = tpu.memref_squeeze %dma_start3A_73 : memref<1x10240xf32, #tpu.memory_space<hbm>> -> memref<10240xf32, #tpu.memory_space<hbm>>
      tpu.enqueue_dma source(%arg14 : memref<10240xf32, #tpu.memory_space<vmem>>) target(%dma_start3A_74 : memref<10240xf32, #tpu.memory_space<hbm>>) target_semaphore(%run_scoped3A : memref<!tpu.dma_semaphore, #tpu.memory_space<semaphore_mem>>)
      %dma_wait3A = arith.constant 0 : i32
      %dma_wait3A_75 = tpu.memref_slice %arg8[%add3A, %dma_wait3A] : memref<32x10240xf32, #tpu.memory_space<hbm>> -> memref<1x10240xf32, #tpu.memory_space<hbm>>
      %dma_wait3A_76 = tpu.memref_squeeze %dma_wait3A_75 : memref<1x10240xf32, #tpu.memory_space<hbm>> -> memref<10240xf32, #tpu.memory_space<hbm>>
      %dma_wait3A_77 = arith.constant 0 : i32
      %dma_wait3A_78 = tpu.memref_slice %arg8[%add3A, %dma_wait3A_77] : memref<32x10240xf32, #tpu.memory_space<hbm>> -> memref<1x10240xf32, #tpu.memory_space<hbm>>
      %dma_wait3A_79 = tpu.memref_squeeze %dma_wait3A_78 : memref<1x10240xf32, #tpu.memory_space<hbm>> -> memref<10240xf32, #tpu.memory_space<hbm>>
      tpu.wait_dma2 semaphore(%run_scoped3A : memref<!tpu.dma_semaphore, #tpu.memory_space<semaphore_mem>>) src(%arg14 : memref<10240xf32, #tpu.memory_space<vmem>>) dst(%dma_wait3A_79 : memref<10240xf32, #tpu.memory_space<hbm>>)
      tpu.yield
    }) : () -> ()
    %barrier3A_65 = arith.constant 0 : index
    tpu.barrier barrier_id(%barrier3A_65)
    %mul3A_66 = arith.constant 640 : i32
    %mul3A_67 = arith.muli %arg1, %mul3A_66 : i32
    %mul3A_68 = arith.constant 640 : i32
    %mul3A_69 = arith.muli %arg1, %mul3A_68 : i32
    "tpu.region"() ({
      %run_scoped3A = tpu.sem_alloc : memref<!tpu.dma_semaphore, #tpu.memory_space<semaphore_mem>>
      %dma_start3A = arith.constant 0 : i32
      %dma_start3A_70 = tpu.memref_slice %arg7[%arg0, %mul3A_69, %dma_start3A] : memref<2x10240x128xf32, #tpu.memory_space<hbm>> -> memref<1x640x128xf32, #tpu.memory_space<hbm>>
      %dma_start3A_71 = tpu.memref_squeeze %dma_start3A_70 : memref<1x640x128xf32, #tpu.memory_space<hbm>> -> memref<640x128xf32, #tpu.memory_space<hbm>>
      %dma_start3A_72 = arith.constant 0 : i32
      %dma_start3A_73 = tpu.memref_slice %arg15[%mul3A_67, %dma_start3A_72] : memref<10240x128xf32, #tpu.memory_space<vmem_shared>> -> memref<640x128xf32, #tpu.memory_space<vmem_shared>>
      tpu.enqueue_dma source(%dma_start3A_73 : memref<640x128xf32, #tpu.memory_space<vmem_shared>>) target(%dma_start3A_71 : memref<640x128xf32, #tpu.memory_space<hbm>>) target_semaphore(%run_scoped3A : memref<!tpu.dma_semaphore, #tpu.memory_space<semaphore_mem>>)
      %dma_wait3A = arith.constant 0 : i32
      %dma_wait3A_74 = tpu.memref_slice %arg7[%arg0, %mul3A_69, %dma_wait3A] : memref<2x10240x128xf32, #tpu.memory_space<hbm>> -> memref<1x640x128xf32, #tpu.memory_space<hbm>>
      %dma_wait3A_75 = tpu.memref_squeeze %dma_wait3A_74 : memref<1x640x128xf32, #tpu.memory_space<hbm>> -> memref<640x128xf32, #tpu.memory_space<hbm>>
      %dma_wait3A_76 = arith.constant 0 : i32
      %dma_wait3A_77 = tpu.memref_slice %arg15[%mul3A_67, %dma_wait3A_76] : memref<10240x128xf32, #tpu.memory_space<vmem_shared>> -> memref<640x128xf32, #tpu.memory_space<vmem_shared>>
      tpu.wait_dma2 semaphore(%run_scoped3A : memref<!tpu.dma_semaphore, #tpu.memory_space<semaphore_mem>>) src(%dma_wait3A_77 : memref<640x128xf32, #tpu.memory_space<vmem_shared>>) dst(%dma_wait3A_75 : memref<640x128xf32, #tpu.memory_space<hbm>>)
      tpu.yield
    }) : () -> ()
    return
  }
}

#map = affine_map<(d0, d1) -> (0)>
#map1 = affine_map<(d0, d1) -> (0, 0)>
module attributes {stable_mosaic.version = 14 : i64} {
  func.func @_sc_max_body(%arg0: i32, %arg1: i32, %arg2: memref<320000xi32, #tpu.memory_space<hbm>>, %arg3: memref<320000xi32, #tpu.memory_space<hbm>>, %arg4: memref<2x10000xf32, #tpu.memory_space<hbm>>, %arg5: memref<32x16xf32, #tpu.memory_space<hbm>>, %arg6: memref<320000xf32, #tpu.memory_space<hbm>>, %arg7: memref<10000xf32, #tpu.memory_space<vmem>>, %arg8: memref<10000xf32, #tpu.memory_space<vmem>>, %arg9: memref<2000xi32, #tpu.memory_space<vmem>>, %arg10: memref<2000xi32, #tpu.memory_space<vmem>>, %arg11: memref<2000xf32, #tpu.memory_space<vmem>>, %arg12: memref<16xf32, #tpu.memory_space<vmem>>) attributes {dimension_semantics = [#tpu.dimension_semantics<core_parallel>, #tpu.dimension_semantics<subcore_parallel>], iteration_bounds = array<i64: 2, 16>, scalar_prefetch = 0 : i64, scratch_operands = 6 : i64, tpu.core_type = #tpu.core_type<sc_vector_subcore>, window_params = [{transform_indices = #map}, {transform_indices = #map}, {transform_indices = #map1}, {transform_indices = #map1}, {transform_indices = #map}]} {
    %mul3A = arith.constant 16 : i32
    %mul3A_0 = arith.muli %arg0, %mul3A : i32
    %add3A = arith.addi %mul3A_0, %arg1 : i32
    %run_scoped3A = arith.constant 0 : i32
    "tpu.region"() ({
      %run_scoped3A_11 = tpu.sem_alloc : memref<!tpu.dma_semaphore, #tpu.memory_space<semaphore_mem>>
      %dma_start3A = arith.constant 0 : i32
      %dma_start3A_12 = tpu.memref_slice %arg4[%run_scoped3A, %dma_start3A] : memref<2x10000xf32, #tpu.memory_space<hbm>> -> memref<1x10000xf32, #tpu.memory_space<hbm>>
      %dma_start3A_13 = tpu.memref_squeeze %dma_start3A_12 : memref<1x10000xf32, #tpu.memory_space<hbm>> -> memref<10000xf32, #tpu.memory_space<hbm>>
      %dma_start3A_14 = arith.constant 0 : i32
      %dma_start3A_15 = tpu.memref_slice %arg4[%run_scoped3A, %dma_start3A_14] : memref<2x10000xf32, #tpu.memory_space<hbm>> -> memref<1x10000xf32, #tpu.memory_space<hbm>>
      %dma_start3A_16 = tpu.memref_squeeze %dma_start3A_15 : memref<1x10000xf32, #tpu.memory_space<hbm>> -> memref<10000xf32, #tpu.memory_space<hbm>>
      tpu.enqueue_dma source(%dma_start3A_16 : memref<10000xf32, #tpu.memory_space<hbm>>) target(%arg7 : memref<10000xf32, #tpu.memory_space<vmem>>) target_semaphore(%run_scoped3A_11 : memref<!tpu.dma_semaphore, #tpu.memory_space<semaphore_mem>>)
      %dma_wait3A = arith.constant 0 : i32
      %dma_wait3A_17 = tpu.memref_slice %arg4[%run_scoped3A, %dma_wait3A] : memref<2x10000xf32, #tpu.memory_space<hbm>> -> memref<1x10000xf32, #tpu.memory_space<hbm>>
      %dma_wait3A_18 = tpu.memref_squeeze %dma_wait3A_17 : memref<1x10000xf32, #tpu.memory_space<hbm>> -> memref<10000xf32, #tpu.memory_space<hbm>>
      %dma_wait3A_19 = arith.constant 0 : i32
      %dma_wait3A_20 = tpu.memref_slice %arg4[%run_scoped3A, %dma_wait3A_19] : memref<2x10000xf32, #tpu.memory_space<hbm>> -> memref<1x10000xf32, #tpu.memory_space<hbm>>
      %dma_wait3A_21 = tpu.memref_squeeze %dma_wait3A_20 : memref<1x10000xf32, #tpu.memory_space<hbm>> -> memref<10000xf32, #tpu.memory_space<hbm>>
      tpu.wait_dma2 semaphore(%run_scoped3A_11 : memref<!tpu.dma_semaphore, #tpu.memory_space<semaphore_mem>>) src(%dma_wait3A_21 : memref<10000xf32, #tpu.memory_space<hbm>>) dst(%arg7 : memref<10000xf32, #tpu.memory_space<vmem>>)
      tpu.yield
    }) : () -> ()
    %run_scoped3A_1 = arith.constant 1 : i32
    "tpu.region"() ({
      %run_scoped3A_11 = tpu.sem_alloc : memref<!tpu.dma_semaphore, #tpu.memory_space<semaphore_mem>>
      %dma_start3A = arith.constant 0 : i32
      %dma_start3A_12 = tpu.memref_slice %arg4[%run_scoped3A_1, %dma_start3A] : memref<2x10000xf32, #tpu.memory_space<hbm>> -> memref<1x10000xf32, #tpu.memory_space<hbm>>
      %dma_start3A_13 = tpu.memref_squeeze %dma_start3A_12 : memref<1x10000xf32, #tpu.memory_space<hbm>> -> memref<10000xf32, #tpu.memory_space<hbm>>
      %dma_start3A_14 = arith.constant 0 : i32
      %dma_start3A_15 = tpu.memref_slice %arg4[%run_scoped3A_1, %dma_start3A_14] : memref<2x10000xf32, #tpu.memory_space<hbm>> -> memref<1x10000xf32, #tpu.memory_space<hbm>>
      %dma_start3A_16 = tpu.memref_squeeze %dma_start3A_15 : memref<1x10000xf32, #tpu.memory_space<hbm>> -> memref<10000xf32, #tpu.memory_space<hbm>>
      tpu.enqueue_dma source(%dma_start3A_16 : memref<10000xf32, #tpu.memory_space<hbm>>) target(%arg8 : memref<10000xf32, #tpu.memory_space<vmem>>) target_semaphore(%run_scoped3A_11 : memref<!tpu.dma_semaphore, #tpu.memory_space<semaphore_mem>>)
      %dma_wait3A = arith.constant 0 : i32
      %dma_wait3A_17 = tpu.memref_slice %arg4[%run_scoped3A_1, %dma_wait3A] : memref<2x10000xf32, #tpu.memory_space<hbm>> -> memref<1x10000xf32, #tpu.memory_space<hbm>>
      %dma_wait3A_18 = tpu.memref_squeeze %dma_wait3A_17 : memref<1x10000xf32, #tpu.memory_space<hbm>> -> memref<10000xf32, #tpu.memory_space<hbm>>
      %dma_wait3A_19 = arith.constant 0 : i32
      %dma_wait3A_20 = tpu.memref_slice %arg4[%run_scoped3A_1, %dma_wait3A_19] : memref<2x10000xf32, #tpu.memory_space<hbm>> -> memref<1x10000xf32, #tpu.memory_space<hbm>>
      %dma_wait3A_21 = tpu.memref_squeeze %dma_wait3A_20 : memref<1x10000xf32, #tpu.memory_space<hbm>> -> memref<10000xf32, #tpu.memory_space<hbm>>
      tpu.wait_dma2 semaphore(%run_scoped3A_11 : memref<!tpu.dma_semaphore, #tpu.memory_space<semaphore_mem>>) src(%dma_wait3A_21 : memref<10000xf32, #tpu.memory_space<hbm>>) dst(%arg8 : memref<10000xf32, #tpu.memory_space<vmem>>)
      tpu.yield
    }) : () -> ()
    %mul3A_2 = arith.constant 10000 : i32
    %mul3A_3 = arith.muli %add3A, %mul3A_2 : i32
    %broadcast_in_dim3A = arith.constant -3.000000e+38 : f32
    %broadcast_in_dim3A_4 = vector.broadcast %broadcast_in_dim3A : f32 to vector<16xf32>
    %scan3A = arith.constant 0 : i32
    %scan3A_5 = arith.constant 5 : i32
    %scan3A_6 = arith.addi %scan3A, %scan3A_5 : i32
    %scan3A_7 = arith.constant 1 : i32
    %scan3A_8 = scf.for %scan3A_11 = %scan3A to %scan3A_6 step %scan3A_7 iter_args(%scan3A_12 = %broadcast_in_dim3A_4) -> (vector<16xf32>)  : i32 {
      %mul3A_13 = arith.constant 2000 : i32
      %mul3A_14 = arith.muli %scan3A_11, %mul3A_13 : i32
      %add3A_15 = arith.addi %mul3A_3, %mul3A_14 : i32
      "tpu.region"() ({
        %run_scoped3A_28 = tpu.sem_alloc : memref<!tpu.dma_semaphore, #tpu.memory_space<semaphore_mem>>
        %dma_start3A = tpu.memref_slice %arg2[%add3A_15] : memref<320000xi32, #tpu.memory_space<hbm>> -> memref<2000xi32, #tpu.memory_space<hbm>>
        %dma_start3A_29 = tpu.memref_slice %arg2[%add3A_15] : memref<320000xi32, #tpu.memory_space<hbm>> -> memref<2000xi32, #tpu.memory_space<hbm>>
        tpu.enqueue_dma source(%dma_start3A_29 : memref<2000xi32, #tpu.memory_space<hbm>>) target(%arg9 : memref<2000xi32, #tpu.memory_space<vmem>>) target_semaphore(%run_scoped3A_28 : memref<!tpu.dma_semaphore, #tpu.memory_space<semaphore_mem>>)
        %dma_wait3A = tpu.memref_slice %arg2[%add3A_15] : memref<320000xi32, #tpu.memory_space<hbm>> -> memref<2000xi32, #tpu.memory_space<hbm>>
        %dma_wait3A_30 = tpu.memref_slice %arg2[%add3A_15] : memref<320000xi32, #tpu.memory_space<hbm>> -> memref<2000xi32, #tpu.memory_space<hbm>>
        tpu.wait_dma2 semaphore(%run_scoped3A_28 : memref<!tpu.dma_semaphore, #tpu.memory_space<semaphore_mem>>) src(%dma_wait3A_30 : memref<2000xi32, #tpu.memory_space<hbm>>) dst(%arg9 : memref<2000xi32, #tpu.memory_space<vmem>>)
        tpu.yield
      }) : () -> ()
      %mul3A_16 = arith.constant 2000 : i32
      %mul3A_17 = arith.muli %scan3A_11, %mul3A_16 : i32
      %add3A_18 = arith.addi %mul3A_3, %mul3A_17 : i32
      "tpu.region"() ({
        %run_scoped3A_28 = tpu.sem_alloc : memref<!tpu.dma_semaphore, #tpu.memory_space<semaphore_mem>>
        %dma_start3A = tpu.memref_slice %arg3[%add3A_18] : memref<320000xi32, #tpu.memory_space<hbm>> -> memref<2000xi32, #tpu.memory_space<hbm>>
        %dma_start3A_29 = tpu.memref_slice %arg3[%add3A_18] : memref<320000xi32, #tpu.memory_space<hbm>> -> memref<2000xi32, #tpu.memory_space<hbm>>
        tpu.enqueue_dma source(%dma_start3A_29 : memref<2000xi32, #tpu.memory_space<hbm>>) target(%arg10 : memref<2000xi32, #tpu.memory_space<vmem>>) target_semaphore(%run_scoped3A_28 : memref<!tpu.dma_semaphore, #tpu.memory_space<semaphore_mem>>)
        %dma_wait3A = tpu.memref_slice %arg3[%add3A_18] : memref<320000xi32, #tpu.memory_space<hbm>> -> memref<2000xi32, #tpu.memory_space<hbm>>
        %dma_wait3A_30 = tpu.memref_slice %arg3[%add3A_18] : memref<320000xi32, #tpu.memory_space<hbm>> -> memref<2000xi32, #tpu.memory_space<hbm>>
        tpu.wait_dma2 semaphore(%run_scoped3A_28 : memref<!tpu.dma_semaphore, #tpu.memory_space<semaphore_mem>>) src(%dma_wait3A_30 : memref<2000xi32, #tpu.memory_space<hbm>>) dst(%arg10 : memref<2000xi32, #tpu.memory_space<vmem>>)
        tpu.yield
      }) : () -> ()
      %scan3A_19 = arith.constant 0 : i32
      %scan3A_20 = arith.constant 125 : i32
      %scan3A_21 = arith.addi %scan3A_19, %scan3A_20 : i32
      %scan3A_22 = arith.constant 1 : i32
      %scan3A_23 = scf.for %scan3A_28 = %scan3A_19 to %scan3A_21 step %scan3A_22 iter_args(%scan3A_29 = %scan3A_12) -> (vector<16xf32>)  : i32 {
        %mul3A_30 = arith.constant 16 : i32
        %mul3A_31 = arith.muli %scan3A_28, %mul3A_30 : i32
        %get3A = arith.index_cast %mul3A_31 : i32 to index
        %get3A_32 = tpu.vector_load %arg9[%get3A] {strides = array<i32>} : memref<2000xi32, #tpu.memory_space<vmem>>, vector<16xi32>,
        %mul3A_33 = arith.constant 16 : i32
        %mul3A_34 = arith.muli %scan3A_28, %mul3A_33 : i32
        %get3A_35 = arith.index_cast %mul3A_34 : i32 to index
        %get3A_36 = tpu.vector_load %arg10[%get3A_35] {strides = array<i32>} : memref<2000xi32, #tpu.memory_space<vmem>>, vector<16xi32>,
        %gather3A = tpu.vector_load_idx %arg7[%get3A_32] : memref<10000xf32, #tpu.memory_space<vmem>>[vector<16xi32>], vector<16xf32>,
        %gather3A_37 = tpu.vector_load_idx %arg8[%get3A_36] : memref<10000xf32, #tpu.memory_space<vmem>>[vector<16xi32>], vector<16xf32>,
        %add3A_38 = arith.addf %gather3A, %gather3A_37 : vector<16xf32>
        %mul3A_39 = arith.constant 2.000000e-01 : f32
        %mul3A_40 = vector.broadcast %mul3A_39 : f32 to vector<16xf32>
        %mul3A_41 = arith.mulf %mul3A_40, %add3A_38 : vector<16xf32>
        %max3A = arith.maximumf %add3A_38, %mul3A_41 : vector<16xf32>
        %mul3A_42 = arith.constant 16 : i32
        %mul3A_43 = arith.muli %scan3A_28, %mul3A_42 : i32
        %swap3A_44 = arith.index_cast %mul3A_43 : i32 to index
        %swap3A_45 = tpu.vector_load %arg11[%swap3A_44] {strides = array<i32>} : memref<2000xf32, #tpu.memory_space<vmem>>, vector<16xf32>,
        tpu.vector_store %arg11[%swap3A_44], %max3A {strides = array<i32>} : memref<2000xf32, #tpu.memory_space<vmem>>, vector<16xf32>,
        %max3A_46 = arith.maximumf %scan3A_29, %max3A : vector<16xf32>
        scf.yield %max3A_46 : vector<16xf32>
      }
      %scan3A_24 = arith.constant 125 : i32
      %mul3A_25 = arith.constant 2000 : i32
      %mul3A_26 = arith.muli %scan3A_11, %mul3A_25 : i32
      %add3A_27 = arith.addi %mul3A_3, %mul3A_26 : i32
      "tpu.region"() ({
        %run_scoped3A_28 = tpu.sem_alloc : memref<!tpu.dma_semaphore, #tpu.memory_space<semaphore_mem>>
        %dma_start3A = tpu.memref_slice %arg6[%add3A_27] : memref<320000xf32, #tpu.memory_space<hbm>> -> memref<2000xf32, #tpu.memory_space<hbm>>
        %dma_start3A_29 = tpu.memref_slice %arg6[%add3A_27] : memref<320000xf32, #tpu.memory_space<hbm>> -> memref<2000xf32, #tpu.memory_space<hbm>>
        tpu.enqueue_dma source(%arg11 : memref<2000xf32, #tpu.memory_space<vmem>>) target(%dma_start3A_29 : memref<2000xf32, #tpu.memory_space<hbm>>) target_semaphore(%run_scoped3A_28 : memref<!tpu.dma_semaphore, #tpu.memory_space<semaphore_mem>>)
        %dma_wait3A = tpu.memref_slice %arg6[%add3A_27] : memref<320000xf32, #tpu.memory_space<hbm>> -> memref<2000xf32, #tpu.memory_space<hbm>>
        %dma_wait3A_30 = tpu.memref_slice %arg6[%add3A_27] : memref<320000xf32, #tpu.memory_space<hbm>> -> memref<2000xf32, #tpu.memory_space<hbm>>
        tpu.wait_dma2 semaphore(%run_scoped3A_28 : memref<!tpu.dma_semaphore, #tpu.memory_space<semaphore_mem>>) src(%arg11 : memref<2000xf32, #tpu.memory_space<vmem>>) dst(%dma_wait3A_30 : memref<2000xf32, #tpu.memory_space<hbm>>)
        tpu.yield
      }) : () -> ()
      scf.yield %scan3A_23 : vector<16xf32>
    }
    %scan3A_9 = arith.constant 5 : i32
    %swap3A = arith.constant 0 : index
    %swap3A_10 = tpu.vector_load %arg12[%swap3A] {strides = array<i32>} : memref<16xf32, #tpu.memory_space<vmem>>, vector<16xf32>,
    tpu.vector_store %arg12[%swap3A], %scan3A_8 {strides = array<i32>} : memref<16xf32, #tpu.memory_space<vmem>>, vector<16xf32>,
    "tpu.region"() ({
      %run_scoped3A_11 = tpu.sem_alloc : memref<!tpu.dma_semaphore, #tpu.memory_space<semaphore_mem>>
      %dma_start3A = arith.constant 0 : i32
      %dma_start3A_12 = tpu.memref_slice %arg5[%add3A, %dma_start3A] : memref<32x16xf32, #tpu.memory_space<hbm>> -> memref<1x16xf32, #tpu.memory_space<hbm>>
      %dma_start3A_13 = tpu.memref_squeeze %dma_start3A_12 : memref<1x16xf32, #tpu.memory_space<hbm>> -> memref<16xf32, #tpu.memory_space<hbm>>
      %dma_start3A_14 = arith.constant 0 : i32
      %dma_start3A_15 = tpu.memref_slice %arg5[%add3A, %dma_start3A_14] : memref<32x16xf32, #tpu.memory_space<hbm>> -> memref<1x16xf32, #tpu.memory_space<hbm>>
      %dma_start3A_16 = tpu.memref_squeeze %dma_start3A_15 : memref<1x16xf32, #tpu.memory_space<hbm>> -> memref<16xf32, #tpu.memory_space<hbm>>
      tpu.enqueue_dma source(%arg12 : memref<16xf32, #tpu.memory_space<vmem>>) target(%dma_start3A_16 : memref<16xf32, #tpu.memory_space<hbm>>) target_semaphore(%run_scoped3A_11 : memref<!tpu.dma_semaphore, #tpu.memory_space<semaphore_mem>>)
      %dma_wait3A = arith.constant 0 : i32
      %dma_wait3A_17 = tpu.memref_slice %arg5[%add3A, %dma_wait3A] : memref<32x16xf32, #tpu.memory_space<hbm>> -> memref<1x16xf32, #tpu.memory_space<hbm>>
      %dma_wait3A_18 = tpu.memref_squeeze %dma_wait3A_17 : memref<1x16xf32, #tpu.memory_space<hbm>> -> memref<16xf32, #tpu.memory_space<hbm>>
      %dma_wait3A_19 = arith.constant 0 : i32
      %dma_wait3A_20 = tpu.memref_slice %arg5[%add3A, %dma_wait3A_19] : memref<32x16xf32, #tpu.memory_space<hbm>> -> memref<1x16xf32, #tpu.memory_space<hbm>>
      %dma_wait3A_21 = tpu.memref_squeeze %dma_wait3A_20 : memref<1x16xf32, #tpu.memory_space<hbm>> -> memref<16xf32, #tpu.memory_space<hbm>>
      tpu.wait_dma2 semaphore(%run_scoped3A_11 : memref<!tpu.dma_semaphore, #tpu.memory_space<semaphore_mem>>) src(%arg12 : memref<16xf32, #tpu.memory_space<vmem>>) dst(%dma_wait3A_21 : memref<16xf32, #tpu.memory_space<hbm>>)
      tpu.yield
    }) : () -> ()
    return
  }
}

module attributes {stable_mosaic.version = 14 : i64} {
  func.func @_semb_kernel(%arg0: memref<10000x512xf32, #tpu.memory_space<vmem>>, %arg1: memref<10000x128xf32, #tpu.memory_space<vmem>>, %arg2: memref<512x128xf32, #tpu.memory_space<vmem>>) attributes {dimension_semantics = [], scalar_prefetch = 0 : i64, scratch_operands = 0 : i64, tpu.core_type = #tpu.core_type<tc>} {
    %get3A = arith.constant 0 : index
    %get3A_0 = arith.constant 0 : index
    %get3A_1 = vector.load %arg0[%get3A, %get3A_0] : memref<10000x512xf32, #tpu.memory_space<vmem>>, vector<10000x512xf32>
    %get3A_2 = arith.constant 0 : index
    %get3A_3 = arith.constant 0 : index
    %get3A_4 = vector.load %arg1[%get3A_2, %get3A_3] : memref<10000x128xf32, #tpu.memory_space<vmem>>, vector<10000x128xf32>
    %dot_general3A = arith.constant dense<0.000000e+00> : vector<512x128xf32>
    %dot_general3A_5 = tpu.matmul %get3A_1, %get3A_4, %dot_general3A {dimension_numbers = #tpu.dot_dimension_numbers<[0], [0], [1], [1], [0, 1, 1, 1], [], []>, transpose_lhs_hint = false} : vector<10000x512xf32>, vector<10000x128xf32>, vector<512x128xf32> -> vector<512x128xf32>
    %swap3A = arith.constant 0 : index
    %swap3A_6 = arith.constant 0 : index
    %swap3A_7 = vector.load %arg2[%swap3A, %swap3A_6] : memref<512x128xf32, #tpu.memory_space<vmem>>, vector<512x128xf32>
    tpu.vector_store %arg2[%swap3A, %swap3A_6], %dot_general3A_5 {strides = array<i32>} : memref<512x128xf32, #tpu.memory_space<vmem>>, vector<512x128xf32>,
    return
  }
}

module attributes {stable_mosaic.version = 14 : i64} {
  func.func @_dot00_kernel(%arg0: memref<512x128xf32, #tpu.memory_space<vmem>>, %arg1: memref<512x128xf32, #tpu.memory_space<vmem>>, %arg2: memref<128x128xf32, #tpu.memory_space<vmem>>) attributes {dimension_semantics = [], scalar_prefetch = 0 : i64, scratch_operands = 0 : i64, tpu.core_type = #tpu.core_type<tc>} {
    %get3A = arith.constant 0 : index
    %get3A_0 = arith.constant 0 : index
    %get3A_1 = vector.load %arg0[%get3A, %get3A_0] : memref<512x128xf32, #tpu.memory_space<vmem>>, vector<512x128xf32>
    %get3A_2 = arith.constant 0 : index
    %get3A_3 = arith.constant 0 : index
    %get3A_4 = vector.load %arg1[%get3A_2, %get3A_3] : memref<512x128xf32, #tpu.memory_space<vmem>>, vector<512x128xf32>
    %dot_general3A = arith.constant dense<0.000000e+00> : vector<128x128xf32>
    %dot_general3A_5 = tpu.matmul %get3A_1, %get3A_4, %dot_general3A {dimension_numbers = #tpu.dot_dimension_numbers<[0], [0], [1], [1], [0, 1, 1, 1], [], []>, transpose_lhs_hint = false} : vector<512x128xf32>, vector<512x128xf32>, vector<128x128xf32> -> vector<128x128xf32>
    %swap3A = arith.constant 0 : index
    %swap3A_6 = arith.constant 0 : index
    %swap3A_7 = vector.load %arg2[%swap3A, %swap3A_6] : memref<128x128xf32, #tpu.memory_space<vmem>>, vector<128x128xf32>
    tpu.vector_store %arg2[%swap3A, %swap3A_6], %dot_general3A_5 {strides = array<i32>} : memref<128x128xf32, #tpu.memory_space<vmem>>, vector<128x128xf32>,
    return
  }
}

module attributes {stable_mosaic.version = 14 : i64} {
  func.func @_dot11_kernel(%arg0: memref<128x128xf32, #tpu.memory_space<vmem>>, %arg1: memref<128x128xf32, #tpu.memory_space<vmem>>) attributes {dimension_semantics = [], scalar_prefetch = 0 : i64, scratch_operands = 0 : i64, tpu.core_type = #tpu.core_type<tc>} {
    %get3A = arith.constant 0 : index
    %get3A_0 = arith.constant 0 : index
    %get3A_1 = vector.load %arg0[%get3A, %get3A_0] : memref<128x128xf32, #tpu.memory_space<vmem>>, vector<128x128xf32>
    %dot_general3A = arith.constant dense<0.000000e+00> : vector<128x128xf32>
    %dot_general3A_2 = tpu.matmul %get3A_1, %get3A_1, %dot_general3A {dimension_numbers = #tpu.dot_dimension_numbers<[1], [1], [0], [0], [0, 0, 1, 0], [], []>, transpose_lhs_hint = false} : vector<128x128xf32>, vector<128x128xf32>, vector<128x128xf32> -> vector<128x128xf32>
    %swap3A = arith.constant 0 : index
    %swap3A_3 = arith.constant 0 : index
    %swap3A_4 = vector.load %arg1[%swap3A, %swap3A_3] : memref<128x128xf32, #tpu.memory_space<vmem>>, vector<128x128xf32>
    tpu.vector_store %arg1[%swap3A, %swap3A_3], %dot_general3A_2 {strides = array<i32>} : memref<128x128xf32, #tpu.memory_space<vmem>>, vector<128x128xf32>,
    return
  }
}

module attributes {stable_mosaic.version = 14 : i64} {
  func.func @_dot_kernel(%arg0: memref<128x128xf32, #tpu.memory_space<vmem>>, %arg1: memref<128x128xf32, #tpu.memory_space<vmem>>, %arg2: memref<128x128xf32, #tpu.memory_space<vmem>>) attributes {dimension_semantics = [], scalar_prefetch = 0 : i64, scratch_operands = 0 : i64, tpu.core_type = #tpu.core_type<tc>} {
    %get3A = arith.constant 0 : index
    %get3A_0 = arith.constant 0 : index
    %get3A_1 = vector.load %arg0[%get3A, %get3A_0] : memref<128x128xf32, #tpu.memory_space<vmem>>, vector<128x128xf32>
    %get3A_2 = arith.constant 0 : index
    %get3A_3 = arith.constant 0 : index
    %get3A_4 = vector.load %arg1[%get3A_2, %get3A_3] : memref<128x128xf32, #tpu.memory_space<vmem>>, vector<128x128xf32>
    %dot_general3A = arith.constant dense<0.000000e+00> : vector<128x128xf32>
    %dot_general3A_5 = tpu.matmul %get3A_1, %get3A_4, %dot_general3A {dimension_numbers = #tpu.dot_dimension_numbers<[1], [0], [0], [1], [0, 0, 1, 1], [], []>, transpose_lhs_hint = false} : vector<128x128xf32>, vector<128x128xf32>, vector<128x128xf32> -> vector<128x128xf32>
    %swap3A = arith.constant 0 : index
    %swap3A_6 = arith.constant 0 : index
    %swap3A_7 = vector.load %arg2[%swap3A, %swap3A_6] : memref<128x128xf32, #tpu.memory_space<vmem>>, vector<128x128xf32>
    tpu.vector_store %arg2[%swap3A, %swap3A_6], %dot_general3A_5 {strides = array<i32>} : memref<128x128xf32, #tpu.memory_space<vmem>>, vector<128x128xf32>,
    return
  }
}

module attributes {stable_mosaic.version = 14 : i64} {
  func.func @_dot_bias_kernel(%arg0: memref<128x128xf32, #tpu.memory_space<vmem>>, %arg1: memref<128x128xf32, #tpu.memory_space<vmem>>, %arg2: memref<128xf32, #tpu.memory_space<vmem>>, %arg3: memref<128x128xf32, #tpu.memory_space<vmem>>) attributes {dimension_semantics = [], scalar_prefetch = 0 : i64, scratch_operands = 0 : i64, tpu.core_type = #tpu.core_type<tc>} {
    %get3A = arith.constant 0 : index
    %get3A_0 = arith.constant 0 : index
    %get3A_1 = vector.load %arg0[%get3A, %get3A_0] : memref<128x128xf32, #tpu.memory_space<vmem>>, vector<128x128xf32>
    %get3A_2 = arith.constant 0 : index
    %get3A_3 = arith.constant 0 : index
    %get3A_4 = vector.load %arg1[%get3A_2, %get3A_3] : memref<128x128xf32, #tpu.memory_space<vmem>>, vector<128x128xf32>
    %dot_general3A = arith.constant dense<0.000000e+00> : vector<128x128xf32>
    %dot_general3A_5 = tpu.matmul %get3A_1, %get3A_4, %dot_general3A {dimension_numbers = #tpu.dot_dimension_numbers<[1], [0], [0], [1], [0, 0, 1, 1], [], []>, transpose_lhs_hint = false} : vector<128x128xf32>, vector<128x128xf32>, vector<128x128xf32> -> vector<128x128xf32>
    %get3A_6 = arith.constant 0 : index
    %get3A_7 = vector.load %arg2[%get3A_6] : memref<128xf32, #tpu.memory_space<vmem>>, vector<128xf32>
    %broadcast_in_dim3A = vector.shape_cast %get3A_7 : vector<128xf32> to vector<1x128xf32>
    %add3A = vector.broadcast %broadcast_in_dim3A : vector<1x128xf32> to vector<128x128xf32>
    %add3A_8 = arith.addf %dot_general3A_5, %add3A : vector<128x128xf32>
    %swap3A = arith.constant 0 : index
    %swap3A_9 = arith.constant 0 : index
    %swap3A_10 = vector.load %arg3[%swap3A, %swap3A_9] : memref<128x128xf32, #tpu.memory_space<vmem>>, vector<128x128xf32>
    tpu.vector_store %arg3[%swap3A, %swap3A_9], %add3A_8 {strides = array<i32>} : memref<128x128xf32, #tpu.memory_space<vmem>>, vector<128x128xf32>,
    return
  }
}

module attributes {stable_mosaic.version = 14 : i64} {
  func.func @_fm_kernel(%arg0: memref<512x128xf32, #tpu.memory_space<vmem>>, %arg1: memref<128x128xf32, #tpu.memory_space<vmem>>, %arg2: memref<512x1xf32, #tpu.memory_space<vmem>>, %arg3: memref<512x128xf32, #tpu.memory_space<vmem>>, %arg4: memref<512x128xf32, #tpu.memory_space<vmem>>) attributes {dimension_semantics = [], scalar_prefetch = 0 : i64, scratch_operands = 0 : i64, tpu.core_type = #tpu.core_type<tc>} {
    %get3A = arith.constant 0 : index
    %get3A_0 = arith.constant 0 : index
    %get3A_1 = vector.load %arg0[%get3A, %get3A_0] : memref<512x128xf32, #tpu.memory_space<vmem>>, vector<512x128xf32>
    %get3A_2 = arith.constant 0 : index
    %get3A_3 = arith.constant 0 : index
    %get3A_4 = vector.load %arg1[%get3A_2, %get3A_3] : memref<128x128xf32, #tpu.memory_space<vmem>>, vector<128x128xf32>
    %dot_general3A = arith.constant dense<0.000000e+00> : vector<512x128xf32>
    %dot_general3A_5 = tpu.matmul %get3A_1, %get3A_4, %dot_general3A {dimension_numbers = #tpu.dot_dimension_numbers<[1], [0], [0], [1], [0, 0, 1, 1], [], []>, transpose_lhs_hint = false} : vector<512x128xf32>, vector<128x128xf32>, vector<512x128xf32> -> vector<512x128xf32>
    %get3A_6 = arith.constant 0 : index
    %get3A_7 = arith.constant 0 : index
    %get3A_8 = vector.load %arg2[%get3A_6, %get3A_7] : memref<512x1xf32, #tpu.memory_space<vmem>>, vector<512x1xf32>
    %div3A = vector.broadcast %get3A_8 : vector<512x1xf32> to vector<512x128xf32>
    %div3A_9 = arith.divf %dot_general3A_5, %div3A : vector<512x128xf32>
    %get3A_10 = arith.constant 0 : index
    %get3A_11 = arith.constant 0 : index
    %get3A_12 = vector.load %arg3[%get3A_10, %get3A_11] : memref<512x128xf32, #tpu.memory_space<vmem>>, vector<512x128xf32>
    %mul3A = arith.constant 1.500000e-01 : f32
    %mul3A_13 = vector.broadcast %mul3A : f32 to vector<512x128xf32>
    %mul3A_14 = arith.mulf %mul3A_13, %div3A_9 : vector<512x128xf32>
    %add3A = arith.addf %get3A_12, %mul3A_14 : vector<512x128xf32>
    %swap3A = arith.constant 0 : index
    %swap3A_15 = arith.constant 0 : index
    %swap3A_16 = vector.load %arg4[%swap3A, %swap3A_15] : memref<512x128xf32, #tpu.memory_space<vmem>>, vector<512x128xf32>
    tpu.vector_store %arg4[%swap3A, %swap3A_15], %add3A {strides = array<i32>} : memref<512x128xf32, #tpu.memory_space<vmem>>, vector<512x128xf32>,
    return
  }
}

module attributes {stable_mosaic.version = 14 : i64} {
  func.func @_dot_kernel(%arg0: memref<512x128xf32, #tpu.memory_space<vmem>>, %arg1: memref<128x128xf32, #tpu.memory_space<vmem>>, %arg2: memref<512x128xf32, #tpu.memory_space<vmem>>) attributes {dimension_semantics = [], scalar_prefetch = 0 : i64, scratch_operands = 0 : i64, tpu.core_type = #tpu.core_type<tc>} {
    %get3A = arith.constant 0 : index
    %get3A_0 = arith.constant 0 : index
    %get3A_1 = vector.load %arg0[%get3A, %get3A_0] : memref<512x128xf32, #tpu.memory_space<vmem>>, vector<512x128xf32>
    %get3A_2 = arith.constant 0 : index
    %get3A_3 = arith.constant 0 : index
    %get3A_4 = vector.load %arg1[%get3A_2, %get3A_3] : memref<128x128xf32, #tpu.memory_space<vmem>>, vector<128x128xf32>
    %dot_general3A = arith.constant dense<0.000000e+00> : vector<512x128xf32>
    %dot_general3A_5 = tpu.matmul %get3A_1, %get3A_4, %dot_general3A {dimension_numbers = #tpu.dot_dimension_numbers<[1], [0], [0], [1], [0, 0, 1, 1], [], []>, transpose_lhs_hint = false} : vector<512x128xf32>, vector<128x128xf32>, vector<512x128xf32> -> vector<512x128xf32>
    %swap3A = arith.constant 0 : index
    %swap3A_6 = arith.constant 0 : index
    %swap3A_7 = vector.load %arg2[%swap3A, %swap3A_6] : memref<512x128xf32, #tpu.memory_space<vmem>>, vector<512x128xf32>
    tpu.vector_store %arg2[%swap3A, %swap3A_6], %dot_general3A_5 {strides = array<i32>} : memref<512x128xf32, #tpu.memory_space<vmem>>, vector<512x128xf32>,
    return
  }
}

module attributes {stable_mosaic.version = 14 : i64} {
  func.func @_dot_bias_kernel(%arg0: memref<512x512xf32, #tpu.memory_space<vmem>>, %arg1: memref<512x128xf32, #tpu.memory_space<vmem>>, %arg2: memref<128xf32, #tpu.memory_space<vmem>>, %arg3: memref<512x128xf32, #tpu.memory_space<vmem>>) attributes {dimension_semantics = [], scalar_prefetch = 0 : i64, scratch_operands = 0 : i64, tpu.core_type = #tpu.core_type<tc>} {
    %get3A = arith.constant 0 : index
    %get3A_0 = arith.constant 0 : index
    %get3A_1 = vector.load %arg0[%get3A, %get3A_0] : memref<512x512xf32, #tpu.memory_space<vmem>>, vector<512x512xf32>
    %get3A_2 = arith.constant 0 : index
    %get3A_3 = arith.constant 0 : index
    %get3A_4 = vector.load %arg1[%get3A_2, %get3A_3] : memref<512x128xf32, #tpu.memory_space<vmem>>, vector<512x128xf32>
    %dot_general3A = arith.constant dense<0.000000e+00> : vector<512x128xf32>
    %dot_general3A_5 = tpu.matmul %get3A_1, %get3A_4, %dot_general3A {dimension_numbers = #tpu.dot_dimension_numbers<[1], [0], [0], [1], [0, 0, 1, 1], [], []>, transpose_lhs_hint = false} : vector<512x512xf32>, vector<512x128xf32>, vector<512x128xf32> -> vector<512x128xf32>
    %get3A_6 = arith.constant 0 : index
    %get3A_7 = vector.load %arg2[%get3A_6] : memref<128xf32, #tpu.memory_space<vmem>>, vector<128xf32>
    %broadcast_in_dim3A = vector.shape_cast %get3A_7 : vector<128xf32> to vector<1x128xf32>
    %add3A = vector.broadcast %broadcast_in_dim3A : vector<1x128xf32> to vector<512x128xf32>
    %add3A_8 = arith.addf %dot_general3A_5, %add3A : vector<512x128xf32>
    %swap3A = arith.constant 0 : index
    %swap3A_9 = arith.constant 0 : index
    %swap3A_10 = vector.load %arg3[%swap3A, %swap3A_9] : memref<512x128xf32, #tpu.memory_space<vmem>>, vector<512x128xf32>
    tpu.vector_store %arg3[%swap3A, %swap3A_9], %add3A_8 {strides = array<i32>} : memref<512x128xf32, #tpu.memory_space<vmem>>, vector<512x128xf32>,
    return
  }
}

module attributes {stable_mosaic.version = 14 : i64} {
  func.func @_rf_kernel(%arg0: i32, %arg1: memref<1000x512xf32, #tpu.memory_space<vmem>>, %arg2: memref<1000x128xf32, #tpu.memory_space<vmem>>, %arg3: memref<512x128xf32, #tpu.memory_space<vmem>>, %arg4: memref<1000x128xf32, #tpu.memory_space<vmem>>) attributes {dimension_semantics = [#tpu.dimension_semantics<arbitrary>], iteration_bounds = array<i64: 10>, scalar_prefetch = 0 : i64, scratch_operands = 0 : i64, tpu.core_type = #tpu.core_type<tc>, window_params = [{transform_indices = @transform_0, window_bounds = array<i64: 1000, 512>}, {transform_indices = @transform_1, window_bounds = array<i64: 1000, 128>}, {pipeline_mode = #tpu.pipeline_mode<synchronous>, transform_indices = @transform_2, window_bounds = array<i64: 512, 128>}, {transform_indices = @transform_3, window_bounds = array<i64: 1000, 128>}]} {
    %get3A = arith.constant 0 : index
    %get3A_0 = arith.constant 0 : index
    %get3A_1 = vector.load %arg1[%get3A, %get3A_0] : memref<1000x512xf32, #tpu.memory_space<vmem>>, vector<1000x512xf32>
    %get3A_2 = arith.constant 0 : index
    %get3A_3 = arith.constant 0 : index
    %get3A_4 = vector.load %arg3[%get3A_2, %get3A_3] : memref<512x128xf32, #tpu.memory_space<vmem>>, vector<512x128xf32>
    %dot_general3A = arith.constant dense<0.000000e+00> : vector<1000x128xf32>
    %dot_general3A_5 = tpu.matmul %get3A_1, %get3A_4, %dot_general3A {dimension_numbers = #tpu.dot_dimension_numbers<[1], [0], [0], [1], [0, 0, 1, 1], [], []>, transpose_lhs_hint = false} : vector<1000x512xf32>, vector<512x128xf32>, vector<1000x128xf32> -> vector<1000x128xf32>
    %get3A_6 = arith.constant 0 : index
    %get3A_7 = arith.constant 0 : index
    %get3A_8 = vector.load %arg2[%get3A_6, %get3A_7] : memref<1000x128xf32, #tpu.memory_space<vmem>>, vector<1000x128xf32>
    %mul3A = arith.constant 5.000000e-01 : f32
    %mul3A_9 = vector.broadcast %mul3A : f32 to vector<1000x128xf32>
    %mul3A_10 = arith.mulf %mul3A_9, %dot_general3A_5 : vector<1000x128xf32>
    %add3A = arith.addf %get3A_8, %mul3A_10 : vector<1000x128xf32>
    %swap3A = arith.constant 0 : index
    %swap3A_11 = arith.constant 0 : index
    %swap3A_12 = vector.load %arg4[%swap3A, %swap3A_11] : memref<1000x128xf32, #tpu.memory_space<vmem>>, vector<1000x128xf32>
    tpu.vector_store %arg4[%swap3A, %swap3A_11], %add3A {strides = array<i32>} : memref<1000x128xf32, #tpu.memory_space<vmem>>, vector<1000x128xf32>,
    return
  }
  func.func @transform_0(%arg0: i32) -> (i32, i32) {
    %c0_i32 = arith.constant 0 : i32
    %c0_i32_0 = arith.constant 0 : i32
    return %arg0, %c0_i32 : i32, i32
  }
  func.func @transform_1(%arg0: i32) -> (i32, i32) {
    %c0_i32 = arith.constant 0 : i32
    %c0_i32_0 = arith.constant 0 : i32
    return %arg0, %c0_i32 : i32, i32
  }
  func.func @transform_2(%arg0: i32) -> (i32, i32) {
    %c0_i32 = arith.constant 0 : i32
    %c0_i32_0 = arith.constant 0 : i32
    %c0_i32_1 = arith.constant 0 : i32
    return %c0_i32, %c0_i32_0 : i32, i32
  }
  func.func @transform_3(%arg0: i32) -> (i32, i32) {
    %c0_i32 = arith.constant 0 : i32
    %c0_i32_0 = arith.constant 0 : i32
    return %arg0, %c0_i32 : i32, i32
  }
}

module attributes {stable_mosaic.version = 14 : i64} {
  func.func @_node_kernel(%arg0: i32, %arg1: memref<1000x128xf32, #tpu.memory_space<vmem>>, %arg2: memref<128x128xf32, #tpu.memory_space<vmem>>, %arg3: memref<128x8xf32, #tpu.memory_space<vmem>>, %arg4: memref<1000x128xf32, #tpu.memory_space<vmem>>, %arg5: memref<1000x8xf32, #tpu.memory_space<vmem>>) attributes {dimension_semantics = [#tpu.dimension_semantics<arbitrary>], iteration_bounds = array<i64: 10>, scalar_prefetch = 0 : i64, scratch_operands = 0 : i64, tpu.core_type = #tpu.core_type<tc>, window_params = [{transform_indices = @transform_0, window_bounds = array<i64: 1000, 128>}, {pipeline_mode = #tpu.pipeline_mode<synchronous>, transform_indices = @transform_1, window_bounds = array<i64: 128, 128>}, {pipeline_mode = #tpu.pipeline_mode<synchronous>, transform_indices = @transform_2, window_bounds = array<i64: 128, 8>}, {transform_indices = @transform_3, window_bounds = array<i64: 1000, 128>}, {transform_indices = @transform_4, window_bounds = array<i64: 1000, 8>}]} {
    %get3A = arith.constant 0 : index
    %get3A_0 = arith.constant 0 : index
    %get3A_1 = vector.load %arg1[%get3A, %get3A_0] : memref<1000x128xf32, #tpu.memory_space<vmem>>, vector<1000x128xf32>
    %get3A_2 = arith.constant 0 : index
    %get3A_3 = arith.constant 0 : index
    %get3A_4 = vector.load %arg2[%get3A_2, %get3A_3] : memref<128x128xf32, #tpu.memory_space<vmem>>, vector<128x128xf32>
    %dot_general3A = arith.constant dense<0.000000e+00> : vector<1000x128xf32>
    %dot_general3A_5 = tpu.matmul %get3A_1, %get3A_4, %dot_general3A {dimension_numbers = #tpu.dot_dimension_numbers<[1], [0], [0], [1], [0, 0, 1, 1], [], []>, transpose_lhs_hint = false} : vector<1000x128xf32>, vector<128x128xf32>, vector<1000x128xf32> -> vector<1000x128xf32>
    %swap3A = arith.constant 0 : index
    %swap3A_6 = arith.constant 0 : index
    %swap3A_7 = vector.load %arg4[%swap3A, %swap3A_6] : memref<1000x128xf32, #tpu.memory_space<vmem>>, vector<1000x128xf32>
    tpu.vector_store %arg4[%swap3A, %swap3A_6], %dot_general3A_5 {strides = array<i32>} : memref<1000x128xf32, #tpu.memory_space<vmem>>, vector<1000x128xf32>,
    %get3A_8 = arith.constant 0 : index
    %get3A_9 = arith.constant 0 : index
    %get3A_10 = vector.load %arg3[%get3A_8, %get3A_9] : memref<128x8xf32, #tpu.memory_space<vmem>>, vector<128x8xf32>
    %dot_general3A_11 = arith.constant dense<0.000000e+00> : vector<1000x8xf32>
    %dot_general3A_12 = tpu.matmul %dot_general3A_5, %get3A_10, %dot_general3A_11 {dimension_numbers = #tpu.dot_dimension_numbers<[1], [0], [0], [1], [0, 0, 1, 1], [], []>, transpose_lhs_hint = false} : vector<1000x128xf32>, vector<128x8xf32>, vector<1000x8xf32> -> vector<1000x8xf32>
    %swap3A_13 = arith.constant 0 : index
    %swap3A_14 = arith.constant 0 : index
    %swap3A_15 = vector.load %arg5[%swap3A_13, %swap3A_14] : memref<1000x8xf32, #tpu.memory_space<vmem>>, vector<1000x8xf32>
    tpu.vector_store %arg5[%swap3A_13, %swap3A_14], %dot_general3A_12 {strides = array<i32>} : memref<1000x8xf32, #tpu.memory_space<vmem>>, vector<1000x8xf32>,
    return
  }
  func.func @transform_0(%arg0: i32) -> (i32, i32) {
    %c0_i32 = arith.constant 0 : i32
    %c0_i32_0 = arith.constant 0 : i32
    return %arg0, %c0_i32 : i32, i32
  }
  func.func @transform_1(%arg0: i32) -> (i32, i32) {
    %c0_i32 = arith.constant 0 : i32
    %c0_i32_0 = arith.constant 0 : i32
    %c0_i32_1 = arith.constant 0 : i32
    return %c0_i32, %c0_i32_0 : i32, i32
  }
  func.func @transform_2(%arg0: i32) -> (i32, i32) {
    %c0_i32 = arith.constant 0 : i32
    %c0_i32_0 = arith.constant 0 : i32
    %c0_i32_1 = arith.constant 0 : i32
    return %c0_i32, %c0_i32_0 : i32, i32
  }
  func.func @transform_3(%arg0: i32) -> (i32, i32) {
    %c0_i32 = arith.constant 0 : i32
    %c0_i32_0 = arith.constant 0 : i32
    return %arg0, %c0_i32 : i32, i32
  }
  func.func @transform_4(%arg0: i32) -> (i32, i32) {
    %c0_i32 = arith.constant 0 : i32
    %c0_i32_0 = arith.constant 0 : i32
    return %arg0, %c0_i32 : i32, i32
  }
}

module attributes {stable_mosaic.version = 14 : i64} {
  func.func @_finish_kernel(%arg0: i32, %arg1: memref<2x1280x128xf32, #tpu.memory_space<vmem>>, %arg2: memref<32x1280xf32, #tpu.memory_space<vmem>>, %arg3: memref<1280x128xf32, #tpu.memory_space<vmem>>) attributes {dimension_semantics = [#tpu.dimension_semantics<arbitrary>], iteration_bounds = array<i64: 8>, scalar_prefetch = 0 : i64, scratch_operands = 0 : i64, tpu.core_type = #tpu.core_type<tc>, window_params = [{transform_indices = @transform_0, window_bounds = array<i64: 2, 1280, 128>}, {transform_indices = @transform_1, window_bounds = array<i64: 32, 1280>}, {transform_indices = @transform_2, window_bounds = array<i64: 1280, 128>}]} {
    %get3A = arith.constant 0 : index
    %get3A_0 = arith.constant 0 : index
    %get3A_1 = arith.constant 0 : index
    %get3A_2 = vector.load %arg1[%get3A, %get3A_0, %get3A_1] : memref<2x1280x128xf32, #tpu.memory_space<vmem>>, vector<1x1280x128xf32>
    %get3A_3 = vector.shape_cast %get3A_2 : vector<1x1280x128xf32> to vector<1280x128xf32>
    %get3A_4 = arith.constant 1 : index
    %get3A_5 = arith.constant 0 : index
    %get3A_6 = arith.constant 0 : index
    %get3A_7 = vector.load %arg1[%get3A_4, %get3A_5, %get3A_6] : memref<2x1280x128xf32, #tpu.memory_space<vmem>>, vector<1x1280x128xf32>
    %get3A_8 = vector.shape_cast %get3A_7 : vector<1x1280x128xf32> to vector<1280x128xf32>
    %add3A = arith.addf %get3A_3, %get3A_8 : vector<1280x128xf32>
    %get3A_9 = arith.constant 0 : index
    %get3A_10 = arith.constant 0 : index
    %get3A_11 = vector.load %arg2[%get3A_9, %get3A_10] : memref<32x1280xf32, #tpu.memory_space<vmem>>, vector<32x1280xf32>
    %reduce_sum3A = arith.constant dense<0.000000e+00> : vector<1280xf32>
    %reduce_sum3A_12 = vector.multi_reduction <add>, %get3A_11, %reduce_sum3A [0] : vector<32x1280xf32> to vector<1280xf32>
    %broadcast_in_dim3A = vector.shape_cast %reduce_sum3A_12 : vector<1280xf32> to vector<1280x1xf32>
    %add3A_13 = arith.constant 1.000000e-15 : f32
    %add3A_14 = vector.broadcast %add3A_13 : f32 to vector<1280x1xf32>
    %add3A_15 = arith.addf %broadcast_in_dim3A, %add3A_14 : vector<1280x1xf32>
    %div3A = vector.broadcast %add3A_15 : vector<1280x1xf32> to vector<1280x128xf32>
    %div3A_16 = arith.divf %add3A, %div3A : vector<1280x128xf32>
    %gt3A = arith.constant 0.000000e+00 : f32
    %gt3A_17 = vector.broadcast %gt3A : f32 to vector<1280x128xf32>
    %gt3A_18 = arith.cmpf ogt, %div3A_16, %gt3A_17 : vector<1280x128xf32>
    %exp3A = math.exp %div3A_16 : vector<1280x128xf32>
    %sub3A = arith.constant 1.000000e+00 : f32
    %sub3A_19 = vector.broadcast %sub3A : f32 to vector<1280x128xf32>
    %sub3A_20 = arith.subf %exp3A, %sub3A_19 : vector<1280x128xf32>
    %select_n3A = arith.select %gt3A_18, %div3A_16, %sub3A_20 : vector<1280x128xi1>, vector<1280x128xf32>
    %swap3A = arith.constant 0 : index
    %swap3A_21 = arith.constant 0 : index
    %swap3A_22 = vector.load %arg3[%swap3A, %swap3A_21] : memref<1280x128xf32, #tpu.memory_space<vmem>>, vector<1280x128xf32>
    tpu.vector_store %arg3[%swap3A, %swap3A_21], %select_n3A {strides = array<i32>} : memref<1280x128xf32, #tpu.memory_space<vmem>>, vector<1280x128xf32>,
    return
  }
  func.func @transform_0(%arg0: i32) -> (i32, i32, i32) {
    %c0_i32 = arith.constant 0 : i32
    %c0_i32_0 = arith.constant 0 : i32
    %c0_i32_1 = arith.constant 0 : i32
    return %c0_i32, %arg0, %c0_i32_0 : i32, i32, i32
  }
  func.func @transform_1(%arg0: i32) -> (i32, i32) {
    %c0_i32 = arith.constant 0 : i32
    %c0_i32_0 = arith.constant 0 : i32
    return %c0_i32, %arg0 : i32, i32
  }
  func.func @transform_2(%arg0: i32) -> (i32, i32) {
    %c0_i32 = arith.constant 0 : i32
    %c0_i32_0 = arith.constant 0 : i32
    return %arg0, %c0_i32 : i32, i32
  }
}

</mosaic_0001>

<sc_bundles>
// kernel: kernel.15.cloned.1.call-start
scs
__scs_entry_jumppad:
0x0: {  	(pc) =	sbr.rel $0x88, $3  }
0x1: {  	(tag) =	ssettag $0x0;
	lr =	simm.s32 $0x1  }
0x2: {  	[smem:$0x3F96] =	sst lr;
	_ =	strace $0xD0000000  }
0x3: {  	_ = 	snop  }
0x4: {  	_ = 	snop  }
0x5: {  	_ = 	snop  }
0x6: {  	_ = 	snop  }
0x7: {  	_ = 	snop  }
__scs_overlays_trampoline_lowered:
0x8: {  	[smem:$0x3FA5] =	sst s0  }
0x9: {  	[smem:$0x3FA6] =	sst s1  }
0xa: {  	[smem:$0x3FA7] =	sst s2  }
0xb: {  	[smem:$0x3FA8] =	sst s3  }
0xc: {  	[smem:$0x3FA9] =	sst s4  }
0xd: {  	[smem:$0x3FAA] =	sst s5  }
0xe: {  	[smem:$0x3FAB] =	sst s6  }
0xf: {  	[smem:$0x3FAC] =	sst s7  }
0x10: {  	[smem:$0x3FAD] =	sst s8  }
0x11: {  	[smem:$0x3FAE] =	sst s9;
	s0 =	simm.s32 @!p0 $0x0  }
0x12: {  	s1 =	sld [smem:$0x3F94];
	s0 =	simm.s32 @p0 $0x1  }
0x13: {  	[smem:$0x3FAF] =	sst s0;
	s0 =	simm.s32 @!p1 $0x0  }
0x14: {  	s2 =	sld [smem:$0x3F93];
	s0 =	simm.s32 @p1 $0x1  }
0x15: {  	[smem:$0x3FB0] =	sst s0;
	s0 =	simm.s32 @!p2 $0x0  }
0x16: {  	s3 =	sld [smem:$0x3FDB];
	s0 =	simm.s32 @p2 $0x1  }
0x17: {  	s4 =	simm.s32 $0x1BF5;
	[smem:$0x3FB2] =	sst s0  }
0x18: {  	s0 =	sld [smem:$0x3F95];
	_ =	swait.ge [sflag:s4], $0x0  }
0x19: {  	s7 =	sld [smem:$0x3F96]  }
0x1a: {  	s8 =	sadd.s32 $0xFFFFE003, lr  }
0x1b: {  	s9 =	sadd.s32 $0xFFFFFEF7, lr;
	s5 =	simm.s32 $0xFFFFFFFF;
	p2 =	slt.u32 s8, $0xFFFFF086  }
0x1c: {  	p1 =	slt.u32 s9, $0xF7A;
	s5 =	simm.s32 @!p2 $0x0  }
0x1d: {  	s5 =	simm.s32 @p1 $0x1;
	p0 =	seq.s32 s7, s2  }
0x1e: {  	s7 =	smul.u32 @!p0 $0xF7A, s2;
	p2 =	seq.s32 @!p0 s5, $0x0  }
0x1f: {  	s9 =	smul.u32 $0xF7A, s1;
	s8 =	simm.s32 @!p0 $0x1BF5;
	p2 =	por !p2, p0  }
0x20: {  	[sflag:s8] =	ssyncset.s32 @!p0 $0xFFFFF086;
	s6 =	sadd.s32 @!p0 s3, s7;
	s7 =	simm.s32 @!p0 $0x108  }
0x21: {  	s3 =	sadd.s32 s3, s9;
	s6 =	sadd.s32 @!p0 $0x88, s6;
	s7 =	simm.s32 @p2 $0x1082  }
0x22: {  	[simem:s7], [sflag:s8] =	dma.local @!p0 [hbm:s6], $0xF7A  }
0x23: {  	s9 =	sor.u32 $0xD0000000, s2;
	s6 =	simm.s32 $0x108;
	_ =	swait.ge @!p0 [sflag:s8], $0x0  }
0x24: {  	s3 =	sadd.s32 $0x88, s3;
	s6 =	simm.s32 @!p1 $0x1082;
	[sflag:s4] =	ssyncset.s32 $0xFFFFF086  }
0x25: {  	[simem:s6], [sflag:s4] =	dma.local [hbm:s3], $0xF7A  }
0x26: {  	[smem:$0x3F96] =	sst s1;
	(tag) =	ssettag s2;
	_ =	strace s9  }
0x27: {  	s1 =	sld [smem:$0x3FA6]  }
0x28: {  	s2 =	sld [smem:$0x3FA7]  }
0x29: {  	s4 =	sld [smem:$0x3FA9]  }
0x2a: {  	p0 =	seq.s32 s5, $0x0;
	s5 =	sld [smem:$0x3FAA]  }
0x2b: {  	s6 =	sld [smem:$0x3FAB]  }
0x2c: {  	s7 =	sld [smem:$0x3FAC]  }
0x2d: {  	s3 =	simm.s32 $0x108;
	s8 =	sld [smem:$0x3FAD]  }
0x2e: {  	s3 =	simm.s32 @!p0 $0x1082;
	s9 =	sld [smem:$0x3FAE]  }
0x2f: {  	lr =	sadd.s32 s0, s3;
	s0 =	sld [smem:$0x3FA5]  }
0x30: {  	s3 =	sld [smem:$0x3FA8]  }
0x31: {  	[smem:$0x3FB1] =	sst s10  }
0x32: {  	s10 =	sld [smem:$0x3FAF];
	_ =	sdelay $0x3  }
0x33: {  	p0 =	seq.s32 s10, $0x1;
	s10 =	sld [smem:$0x3FB1];
	_ =	sdelay $0x3  }
0x34: {  	[smem:$0x3FB1] =	sst s10  }
0x35: {  	s10 =	sld [smem:$0x3FB0];
	_ =	sdelay $0x3  }
0x36: {  	p1 =	seq.s32 s10, $0x1;
	s10 =	sld [smem:$0x3FB1];
	_ =	sdelay $0x3  }
0x37: {  	[smem:$0x3FB1] =	sst s10  }
0x38: {  	s10 =	sld [smem:$0x3FB2]  }
0x39: {  	_ = 	snop;
	(pc) =	sbr.ind lr, $3  }
0x3a: {  	_ = 	snop  }
0x3b: {  	_ = 	snop  }
0x3c: {  	p2 =	seq.s32 s10, $0x1;
	s10 =	sld [smem:$0x3FB1]  }
0x3d: {  	_ =	shalt  }
0x3e: {  	_ =	shalt  }
0x3f: {  	_ =	shalt  }
0x40: {  	_ =	shalt  }
0x41: {  	_ =	shalt  }
0x42: {  	_ =	shalt  }
0x43: {  	_ =	shalt  }
0x44: {  	_ =	shalt  }
0x45: {  	_ =	shalt  }
0x46: {  	_ =	shalt  }
0x47: {  	_ =	shalt  }
0x48: {  	_ =	shalt  }
0x49: {  	_ =	shalt  }
0x4a: {  	_ =	shalt  }
0x4b: {  	_ =	shalt  }
0x4c: {  	_ =	shalt  }
0x4d: {  	_ =	shalt  }
0x4e: {  	_ =	shalt  }
0x4f: {  	_ =	shalt  }
0x50: {  	_ =	shalt  }
0x51: {  	_ =	shalt  }
0x52: {  	_ =	shalt  }
0x53: {  	_ =	shalt  }
0x54: {  	_ =	shalt  }
0x55: {  	_ =	shalt  }
0x56: {  	_ =	shalt  }
0x57: {  	_ =	shalt  }
0x58: {  	_ =	shalt  }
0x59: {  	_ =	shalt  }
0x5a: {  	_ =	shalt  }
0x5b: {  	_ =	shalt  }
0x5c: {  	_ =	shalt  }
0x5d: {  	_ =	shalt  }
0x5e: {  	_ =	shalt  }
0x5f: {  	_ =	shalt  }
0x60: {  	_ =	shalt  }
0x61: {  	_ =	shalt  }
0x62: {  	_ =	shalt  }
0x63: {  	_ =	shalt  }
0x64: {  	_ =	shalt  }
0x65: {  	_ =	shalt  }
0x66: {  	_ =	shalt  }
0x67: {  	_ =	shalt  }
0x68: {  	_ =	shalt  }
0x69: {  	_ =	shalt  }
0x6a: {  	_ =	shalt  }
0x6b: {  	_ =	shalt  }
0x6c: {  	_ =	shalt  }
0x6d: {  	_ =	shalt  }
0x6e: {  	_ =	shalt  }
0x6f: {  	_ =	shalt  }
0x70: {  	_ =	shalt  }
0x71: {  	_ =	shalt  }
0x72: {  	_ =	shalt  }
0x73: {  	_ =	shalt  }
0x74: {  	_ =	shalt  }
0x75: {  	_ =	shalt  }
0x76: {  	_ =	shalt  }
0x77: {  	_ =	shalt  }
0x78: {  	_ =	shalt  }
0x79: {  	_ =	shalt  }
0x7a: {  	_ =	shalt  }
0x7b: {  	_ =	shalt  }
0x7c: {  	_ =	shalt  }
0x7d: {  	_ =	shalt  }
0x7e: {  	_ =	shalt  }
0x7f: {  	_ =	shalt  }
0x80: {  	_ =	shalt  }
0x81: {  	_ =	shalt  }
0x82: {  	_ =	shalt  }
0x83: {  	_ =	shalt  }
0x84: {  	_ =	shalt  }
0x85: {  	_ =	shalt  }
0x86: {  	_ =	shalt  }
0x87: {  	_ =	shalt  }
.Lfunc_end0:
.L_simem_size_0:
called_computation_lowered:
.L_overlay_start_0:
0x88: {  	s2 =	sld [smem:$0x3FD9]  }
0x89: {  	s3 =	sld [smem:$0x3FFE];
	_ =	sdelay $0x1  }
0x8a: {  	s1 =	srdreg.scid  }
0x8b: {  	s0 =	sand.u32 $0x1, s1  }
0x8c: {  	s16 =	sshll.u32 s0, $0xA;
	s2 =	sadd.s32 s3, s2  }
0x8d: {  	s2 =	sadd.s32 s2, s16  }
0x8e: {  	[smem:$0x3FBD] =	sst s2  }
0x8f: {  	_ = 	snop  }
0x90: {  	(tm) =	ssettm $0x1  }
0x91: {  	s17 =	sld [smem:$0x3FFB];
	_ =	sdelay $0x3  }
0x92: {  	_ =	strace s17  }
0x93: {  	s2 =	sld [smem:$0x3FFC];
	_ =	sdelay $0x3  }
0x94: {  	_ =	strace s2  }
0x95: {  	s2 =	sld [smem:$0x3FFD];
	_ =	sdelay $0x3  }
0x96: {  	_ =	strace s2  }
0x97: {  	_ =	strace $0x8FFFFFFF  }
0x98: {  	s18 =	sld [smem:$0x3FDB];
	_ =	sdelay $0x1  }
0x99: {  	s19 =	simm.s32 $_scs_section_size  }
0x9a: {  	s4 =	simm.s32 $_size__tile_overlayer_lowered;
	s5 =	simm.s32 $_tile_overlayer_lowered  }
0x9b: {  	s22 =	simm.s32 $0x1BFF;
	s21 =	sshll.u32 s5, $0x1;
	s2 =	sadd.s32 s19, s18  }
0x9c: {  	s6 =	simm.s32 $0x0;
	s20 =	sshll.u32 s4, $0x1;
	s4 =	sadd.s32 s21, s2  }
0x9d: {  	[timem:s6], [sflag:s22] =	dma.local [hbm:s4], s20  }
0x9e: {  	_ =	swait.ge [sflag:s22], s20  }
0x9f: {  	s3 =	ssub.s32 $0x0, s20;
	[sflag:s22] =	ssyncset.done $0x0  }
0xa0: {  	[sflag:s22] =	ssyncadd.s32 s3;
	_ =	sdelay $0x1  }
0xa1: {  	s23 =	simm.s32 $0x1B8B  }
0xa2: {  	_ =	swait.ge [sflag:s23], $0x1  }
0xa3: {  	[sflag:s23] =	ssyncset.done $0x0  }
0xa4: {  	s25 =	simm.s32 $0x1B8E;
	s24 =	sld [smem:$0x3FFE];
	[sflag:s23] =	ssyncadd.s32 $0xFFFFFFFF  }
0xa5: {  	s26 =	simm.s32 $execute0_lowered;
	[smem:$0x3FD2] =	sst s25  }
0xa6: {  	s4 =	sshll.u32 s26, $0x1;
	_ =	strace $0x80000046;
	[dreg:$0x1] =	wrdreg $0xFFFFFFFF  }
0xa7: {  	s28 =	simm.s32 $_size_execute0_lowered;
	s2 =	sadd.s32 s2, s4;
	[dreg:$0x0] =	wrdreg $0x0  }
0xa8: {  	s4 =	sshll.u32 s28, $0x1;
	[dreg:$0x2] =	wrdreg s2  }
0xa9: {  	[dreg:$0x3] =	wrdreg s4  }
0xaa: {  	[dreg:$0x4] =	wrdreg $0xC0  }
0xab: {  	_ =	task [dreg:s6], $0x5FFFF  }
0xac: {  	[dreg:$0x1] =	wrdreg $0xFFFFFFFF  }
0xad: {  	[dreg:$0x0] =	wrdreg $0x60  }
0xae: {  	[dreg:$0x2] =	wrdreg s24  }
0xaf: {  	[dreg:$0x3] =	wrdreg $0x9  }
0xb0: {  	_ =	task.clear_ibuf [dreg:s6], $0x4FFFF;
	_ =	strace $0x90000046  }
0xb1: {  	s29 =	simm.s32 $0x9;
	_ =	strace $0x80000048  }
0xb2: {  	_ =	swait.ge [sflag:s29], $0x1  }
0xb3: {  	[sflag:s29] =	ssyncadd.s32 $0xFFFFFFFF  }
0xb4: {  	_ =	strace $0x90000048  }
0xb5: {  	_ =	sfence  }
0xb6: {  	s30 =	sld [smem:$0x0];
	_ =	sdelay $0x2  }
0xb7: {  	s31 =	sshll.u32 s1, $0xD;
	s1 =	sshrl.u32 s1, $0x2  }
0xb8: {  	s3 =	sand.u32 $0x4000, s31;
	s1 =	sadd.s32 s1, s30  }
0xb9: {  	s0 =	sor.u32 s3, s0;
	s1 =	sshll.u32 s1, $0x11  }
0xba: {  	s0 =	sor.u32 s1, s0  }
0xbb: {  	s0 =	sadd.s32 $0x8F2B, s0  }
0xbc: {  	[sflag:s0] =	ssyncadd.remote.s32 $0x1  }
0xbd: {  	_ =	sfence.sel $0xFFFF  }
0xbe: {  	[dreg:$0x0] =	wrdreg $0xFFFFFFFF;
	(pc) =	sbr.abs _section_cstart, $3  }
0xbf: {  	[dreg:$0x1] =	wrdreg $0xFFFFFFFF  }
0xc0: {  	_ =	task.clear_ibuf [dreg:s6], $0x2FFFF;
	_ =	strace $0x9FFFFFFF  }
0xc1: {  	(tm) =	ssettm $0x7FFFFFFF  }
tec
execute0_lowered:
.L_overlay_start_1:
0x0: {  	(tag) =	ssettag $0x1  }
0x1: {  	s7 =	rddreg [dreg:$0x0]  }
0x2: {  	s0 =	rddreg [dreg:$0x1];
	s1 =	simm.s32 $0x0  }
0x3: {  	s4 =	srdreg.scid;
	s2 =	stileid.u32;
	s13 =	simm.s32 $0x1  }
0x4: {  	s14 =	simm.s32 $0x2780;
	s15 =	simm.s32 $0x4F00;
	s16 =	simm.s32 $0x5700  }
0x5: {  	s17 =	simm.s32 $0x5F00;
	s18 =	simm.s32 $0x6700;
	s19 =	simm.s32 $0x0  }
0x6: {  	[smem:$0x7FF] =	sst s1;
	s3 =	sadd.s32 $0xA400, s7;
	s6 =	sand.u32 $0x1, s4  }
0x7: {  	s4 =	sadd.s32 $0x600, s7;
	s8 =	sshll.u32 s2, $0x4;
	s5 =	sadd.s32 $0x14200, s7  }
0x8: {  	_ =	strace $0x80000047;
	s9 =	sshll.u32 s6, $0x4;
	s8 =	sand.u32 $0x70, s8  }
0x9: {  	s10 =	ssub.s32 $0x2, s6;
	s6 =	sadd.s32 $0x14E00, s7;
	s9 =	sor.u32 s2, s9  }
0xa: {  	s8 =	sadd.s32 s8, s7;
	s12 =	sshrl.u32 s10, $0x1;
	s11 =	sshll.u32 s9, $0x4  }
0xb: {  	s7 =	sadd.s32 $0x14210, s7;
	s10 =	ssub.s32 s10, s12;
	s11 =	sand.u32 $0x180, s11  }
0xc: {  	s12 =	simm.s32 $0x100;
	s10 =	smax.u32 s10, $0x1;
	s11 =	sadd.s32 s11, s8  }
0xd: {  	s8 =	smul.u32 $0x2710, s9;
	s9 =	sadd.s32 $0x14C00, s11;
	s11 =	simm.s32 $0x80  }
.LBB2_1:
0xe: {  	[tilespmem:s1], [sflag:$0x1] =	stream.strided.gather [hbm4b:s5+s11], $0x2780, s12, s11, $0x38;
	[tilespmem:$0x6780] =	vst v63  }
0xf: {  	_ =	swait.ge [sflag:s13], $0x2780  }
0x10: {  	[sflag:s13] =	ssyncset.done $0x0  }
0x11: {  	[sflag:s13] =	ssyncadd.s32 $0xFFFFD880  }
0x12: {  	[tilespmem:s14], [sflag:$0x1] =	stream.strided.gather [hbm4b:s7+s11], $0x2780, s12, s11, $0x38;
	[tilespmem:$0x6780] =	vst v63  }
0x13: {  	_ =	swait.ge [sflag:s13], $0x2780  }
0x14: {  	[sflag:s13] =	ssyncset.done $0x0  }
0x15: {  	v0 =	vimm.f32 $-3.000000010e+38;
	s20 =	simm.s32 $0x0;
	[sflag:s13] =	ssyncadd.s32 $0xFFFFD880  }
.LBB2_2:
0x16: {  	s21 =	smul.u32 $0x7D0, s20;
	_ =	sdelay $0x1  }
0x17: {  	s21 =	sadd.s32 s8, s21  }
0x18: {  	s21 =	sshrl.u32 s21, $0x3  }
0x19: {  	s23 =	simm.s32 $0x0;
	s22 =	sadd.s32 s3, s21  }
0x1a: {  	[tilespmem:s15], [sflag:$0x1] =	stream.linear.gather [hbm4b:s22+s23], $0x7D0, $0x38;
	[tilespmem:$0x6780] =	vst v63  }
0x1b: {  	_ =	swait.ge [sflag:s13], $0x7D0  }
0x1c: {  	[sflag:s13] =	ssyncset.done $0x0  }
0x1d: {  	s31 =	sadd.s32 s4, s21;
	[sflag:s13] =	ssyncadd.s32 $0xFFFFF830  }
0x1e: {  	[tilespmem:s16], [sflag:$0x1] =	stream.linear.gather [hbm4b:s31+s23], $0x7D0, $0x38;
	[tilespmem:$0x6780] =	vst v63  }
0x1f: {  	_ =	swait.ge [sflag:s13], $0x7D0  }
0x20: {  	[sflag:s13] =	ssyncset.done $0x0  }
0x21: {  	s22 =	simm.s32 $0x0;
	[sflag:s13] =	ssyncadd.s32 $0xFFFFF830  }
0x22: {  	v1 =	vld [tilespmem:s22+$0x5700]  }
0x23: {  	v3 =	vld [tilespmem:s22+$0x4F00];
	_ =	sdelay $0x6  }
0x24: {  	v2 =	vld.idx.msk [tilespmem:v1+s14+$0x0], $0xffff  }
0x25: {  	v3 =	vld.idx.msk [tilespmem:v3+s1+$0x0], $0xffff;
	_ =	sdelay $0x1  }
0x26: {  	s23 =	simm.s32 $0x10  }
0x27: {  	s24 =	simm.s32 $0x80;
	v1 =	vld [tilespmem:s23+$0x5700]  }
.LBB2_3:
0x28: {  	p0 =	sne.s32 s24, $0x1F00;
	v4 =	vld [tilespmem:s23+$0x4F00]  }
0x29: {  	v2 =	vadd.f32 v2, v3;
	_ =	sdelay $0x1  }
0x2a: {  	v3 =	vmul.f32 $2.000000030e-01, v2;
	_ =	sdelay $0x1  }
0x2b: {  	v2 =	vmax.f32 v2, v3  }
0x2c: {  	v0 =	vmax.f32 v0, v2;
	[tilespmem:s22+$0x5F00] =	vst v2;
	s22 =	smov.u32 s23  }
0x2d: {  	v2 =	vld.idx.msk [tilespmem:v1+s14+$0x0], $0xffff  }
.Ltmp0:
0x2e: {  	v3 =	vld.idx.msk [tilespmem:v4+s1+$0x0], $0xffff;
	(pc) =	sbr.rel @p0 .LBB2_3-.Ltmp0, $3  }
0x2f: {  	_ =	sdelay $0x1  }
0x30: {  	s23 =	sshra.s32 s24, $0x2  }
0x31: {  	s24 =	sadd.s32 $0x40, s24;
	v1 =	vld [tilespmem:s23+$0x5700]  }
0x32: {  	_ = 	snop  }
0x33: {  	v4 =	vld [tilespmem:s23+$0x4F00]  }
0x34: {  	v2 =	vadd.f32 v2, v3;
	_ =	sdelay $0x1  }
0x35: {  	v3 =	vmul.f32 $2.000000030e-01, v2;
	_ =	sdelay $0x1  }
0x36: {  	v2 =	vmax.f32 v2, v3  }
0x37: {  	[tilespmem:s22+$0x5F00] =	vst v2  }
0x38: {  	v1 =	vld.idx.msk [tilespmem:v1+s14+$0x0], $0xffff  }
0x39: {  	v3 =	vld.idx.msk [tilespmem:v4+s1+$0x0], $0xffff;
	_ =	sdelay $0x4  }
0x3a: {  	v1 =	vadd.f32 v1, v3;
	_ =	sdelay $0x1  }
0x3b: {  	v3 =	vmul.f32 $2.000000030e-01, v1  }
0x3c: {  	s20 =	sadd.s32 $0x1, s20  }
0x3d: {  	p0 =	sne.s32 s20, $0x5;
	v1 =	vmax.f32 v1, v3  }
.Ltmp1:
0x3e: {  	s21 =	sadd.s32 s6, s21;
	[tilespmem:s23+$0x5F00] =	vst v1;
	(pc) =	sbr.rel @p0 .LBB2_2-.Ltmp1, $4  }
0x3f: {  	[hbm4b:s21+s1] =	stream.linear.scatter [tilespmem:s17], [sflag:$0x1], $0x7D0, $0x38;
	[tilespmem:$0x6780] =	vst v63  }
0x40: {  	_ =	swait.ge [sflag:s13], $0x7D0  }
0x41: {  	v0 =	vmax.f32 v0, v2;
	[sflag:s13] =	ssyncset.done $0x0  }
0x42: {  	v0 =	vmax.f32 v0, v1;
	[sflag:s13] =	ssyncadd.s32 $0xFFFFF830  }
0x43: {  	s19 =	sadd.s32 $0x1, s19  }
0x44: {  	p0 =	sne.s32 s19, s10  }
.Ltmp2:
0x45: {  	[tilespmem:$0x6700] =	vst v0;
	(pc) =	sbr.rel @p0 .LBB2_1-.Ltmp2, $4  }
0x46: {  	[hbm4b:s9+s1] =	stream.linear.scatter [tilespmem:s18], [sflag:$0x1], $0x80, $0x38;
	[tilespmem:$0x6780] =	vst v63  }
0x47: {  	_ =	swait.ge [sflag:s13], $0x80  }
0x48: {  	[sflag:s13] =	ssyncset.done $0x0  }
0x49: {  	[sflag:s13] =	ssyncadd.s32 $0xFFFFFF80  }
0x4a: {  	_ =	sfence.sel $0x180000  }
0x4b: {  	[bflag:$0x0] =	sbarrier.arrive $0xFFFF  }
0x4c: {  	p0 =	sne.s32 s2, $0x0;
	_ =	strace $0x90000047  }
0x4d: {  	s0 =	sadd.s32 @!p0 $0x100000, s0;
	[bflag:$0x2] =	sbarrier.arrive $0xFFFF  }
0x4e: {  	[sflag:s0] =	ssyncadd.tile.s32 @!p0 $0x1;
	_ =	shalt  }
.Lfunc_end2:
_tile_overlayer_lowered:
.L_overlay_start_2:
0x4f: {  	(tag) =	ssettag $0x2  }
0x50: {  	s0 =	rddreg [dreg:$0x0];
	s2 =	stileid.u32  }
0x51: {  	s1 =	rddreg [dreg:$0x1];
	p0 =	sne.s32 s2, $0x0  }
0x52: {  	s3 =	rddreg [dreg:$0x2];
	[bflag:$0x3] =	sbarrier.arrive $0xFFFF;
	s2 =	simm.s32 @!p0 $0x1C01  }
0x53: {  	[timem:s3], [sflag:s2] =	dma.local @!p0 [hbm:s0], s1  }
0x54: {  	s0 =	simm.s32 @!p0 $0x1  }
0x55: {  	_ =	swait.ge @!p0 [sflag:s0], s1  }
0x56: {  	s1 =	ssub.s32 @!p0 $0x0, s1;
	[sflag:s0] =	ssyncset.done @!p0 $0x0  }
0x57: {  	[sflag:s0] =	ssyncadd.s32 @!p0 s1  }
0x58: {  	[bflag:$0x3] =	sbarrier.arrive $0xFFFF  }
0x59: {  	_ =	shalt  }

// kernel: kernel.18.cloned.1.call-start
scs
__scs_entry_jumppad:
0x0: {  	(pc) =	sbr.rel $0x88, $3  }
0x1: {  	(tag) =	ssettag $0x0;
	lr =	simm.s32 $0x1  }
0x2: {  	[smem:$0x3F96] =	sst lr;
	_ =	strace $0xD0000000  }
0x3: {  	_ = 	snop  }
0x4: {  	_ = 	snop  }
0x5: {  	_ = 	snop  }
0x6: {  	_ = 	snop  }
0x7: {  	_ = 	snop  }
__scs_overlays_trampoline_lowered:
0x8: {  	[smem:$0x3FA5] =	sst s0  }
0x9: {  	[smem:$0x3FA6] =	sst s1  }
0xa: {  	[smem:$0x3FA7] =	sst s2  }
0xb: {  	[smem:$0x3FA8] =	sst s3  }
0xc: {  	[smem:$0x3FA9] =	sst s4  }
0xd: {  	[smem:$0x3FAA] =	sst s5  }
0xe: {  	[smem:$0x3FAB] =	sst s6  }
0xf: {  	[smem:$0x3FAC] =	sst s7  }
0x10: {  	[smem:$0x3FAD] =	sst s8  }
0x11: {  	[smem:$0x3FAE] =	sst s9;
	s0 =	simm.s32 @!p0 $0x0  }
0x12: {  	s1 =	sld [smem:$0x3F94];
	s0 =	simm.s32 @p0 $0x1  }
0x13: {  	[smem:$0x3FAF] =	sst s0;
	s0 =	simm.s32 @!p1 $0x0  }
0x14: {  	s2 =	sld [smem:$0x3F93];
	s0 =	simm.s32 @p1 $0x1  }
0x15: {  	[smem:$0x3FB0] =	sst s0;
	s0 =	simm.s32 @!p2 $0x0  }
0x16: {  	s3 =	sld [smem:$0x3FDB];
	s0 =	simm.s32 @p2 $0x1  }
0x17: {  	s4 =	simm.s32 $0x1BF5;
	[smem:$0x3FB2] =	sst s0  }
0x18: {  	s0 =	sld [smem:$0x3F95];
	_ =	swait.ge [sflag:s4], $0x0  }
0x19: {  	s7 =	sld [smem:$0x3F96]  }
0x1a: {  	s8 =	sadd.s32 $0xFFFFE003, lr  }
0x1b: {  	s9 =	sadd.s32 $0xFFFFFEF7, lr;
	s5 =	simm.s32 $0xFFFFFFFF;
	p2 =	slt.u32 s8, $0xFFFFF086  }
0x1c: {  	p1 =	slt.u32 s9, $0xF7A;
	s5 =	simm.s32 @!p2 $0x0  }
0x1d: {  	s5 =	simm.s32 @p1 $0x1;
	p0 =	seq.s32 s7, s2  }
0x1e: {  	s7 =	smul.u32 @!p0 $0xF7A, s2;
	p2 =	seq.s32 @!p0 s5, $0x0  }
0x1f: {  	s9 =	smul.u32 $0xF7A, s1;
	s8 =	simm.s32 @!p0 $0x1BF5;
	p2 =	por !p2, p0  }
0x20: {  	[sflag:s8] =	ssyncset.s32 @!p0 $0xFFFFF086;
	s6 =	sadd.s32 @!p0 s3, s7;
	s7 =	simm.s32 @!p0 $0x108  }
0x21: {  	s3 =	sadd.s32 s3, s9;
	s6 =	sadd.s32 @!p0 $0x88, s6;
	s7 =	simm.s32 @p2 $0x1082  }
0x22: {  	[simem:s7], [sflag:s8] =	dma.local @!p0 [hbm:s6], $0xF7A  }
0x23: {  	s9 =	sor.u32 $0xD0000000, s2;
	s6 =	simm.s32 $0x108;
	_ =	swait.ge @!p0 [sflag:s8], $0x0  }
0x24: {  	s3 =	sadd.s32 $0x88, s3;
	s6 =	simm.s32 @!p1 $0x1082;
	[sflag:s4] =	ssyncset.s32 $0xFFFFF086  }
0x25: {  	[simem:s6], [sflag:s4] =	dma.local [hbm:s3], $0xF7A  }
0x26: {  	[smem:$0x3F96] =	sst s1;
	(tag) =	ssettag s2;
	_ =	strace s9  }
0x27: {  	s1 =	sld [smem:$0x3FA6]  }
0x28: {  	s2 =	sld [smem:$0x3FA7]  }
0x29: {  	s4 =	sld [smem:$0x3FA9]  }
0x2a: {  	p0 =	seq.s32 s5, $0x0;
	s5 =	sld [smem:$0x3FAA]  }
0x2b: {  	s6 =	sld [smem:$0x3FAB]  }
0x2c: {  	s7 =	sld [smem:$0x3FAC]  }
0x2d: {  	s3 =	simm.s32 $0x108;
	s8 =	sld [smem:$0x3FAD]  }
0x2e: {  	s3 =	simm.s32 @!p0 $0x1082;
	s9 =	sld [smem:$0x3FAE]  }
0x2f: {  	lr =	sadd.s32 s0, s3;
	s0 =	sld [smem:$0x3FA5]  }
0x30: {  	s3 =	sld [smem:$0x3FA8]  }
0x31: {  	[smem:$0x3FB1] =	sst s10  }
0x32: {  	s10 =	sld [smem:$0x3FAF];
	_ =	sdelay $0x3  }
0x33: {  	p0 =	seq.s32 s10, $0x1;
	s10 =	sld [smem:$0x3FB1];
	_ =	sdelay $0x3  }
0x34: {  	[smem:$0x3FB1] =	sst s10  }
0x35: {  	s10 =	sld [smem:$0x3FB0];
	_ =	sdelay $0x3  }
0x36: {  	p1 =	seq.s32 s10, $0x1;
	s10 =	sld [smem:$0x3FB1];
	_ =	sdelay $0x3  }
0x37: {  	[smem:$0x3FB1] =	sst s10  }
0x38: {  	s10 =	sld [smem:$0x3FB2]  }
0x39: {  	_ = 	snop;
	(pc) =	sbr.ind lr, $3  }
0x3a: {  	_ = 	snop  }
0x3b: {  	_ = 	snop  }
0x3c: {  	p2 =	seq.s32 s10, $0x1;
	s10 =	sld [smem:$0x3FB1]  }
0x3d: {  	_ =	shalt  }
0x3e: {  	_ =	shalt  }
0x3f: {  	_ =	shalt  }
0x40: {  	_ =	shalt  }
0x41: {  	_ =	shalt  }
0x42: {  	_ =	shalt  }
0x43: {  	_ =	shalt  }
0x44: {  	_ =	shalt  }
0x45: {  	_ =	shalt  }
0x46: {  	_ =	shalt  }
0x47: {  	_ =	shalt  }
0x48: {  	_ =	shalt  }
0x49: {  	_ =	shalt  }
0x4a: {  	_ =	shalt  }
0x4b: {  	_ =	shalt  }
0x4c: {  	_ =	shalt  }
0x4d: {  	_ =	shalt  }
0x4e: {  	_ =	shalt  }
0x4f: {  	_ =	shalt  }
0x50: {  	_ =	shalt  }
0x51: {  	_ =	shalt  }
0x52: {  	_ =	shalt  }
0x53: {  	_ =	shalt  }
0x54: {  	_ =	shalt  }
0x55: {  	_ =	shalt  }
0x56: {  	_ =	shalt  }
0x57: {  	_ =	shalt  }
0x58: {  	_ =	shalt  }
0x59: {  	_ =	shalt  }
0x5a: {  	_ =	shalt  }
0x5b: {  	_ =	shalt  }
0x5c: {  	_ =	shalt  }
0x5d: {  	_ =	shalt  }
0x5e: {  	_ =	shalt  }
0x5f: {  	_ =	shalt  }
0x60: {  	_ =	shalt  }
0x61: {  	_ =	shalt  }
0x62: {  	_ =	shalt  }
0x63: {  	_ =	shalt  }
0x64: {  	_ =	shalt  }
0x65: {  	_ =	shalt  }
0x66: {  	_ =	shalt  }
0x67: {  	_ =	shalt  }
0x68: {  	_ =	shalt  }
0x69: {  	_ =	shalt  }
0x6a: {  	_ =	shalt  }
0x6b: {  	_ =	shalt  }
0x6c: {  	_ =	shalt  }
0x6d: {  	_ =	shalt  }
0x6e: {  	_ =	shalt  }
0x6f: {  	_ =	shalt  }
0x70: {  	_ =	shalt  }
0x71: {  	_ =	shalt  }
0x72: {  	_ =	shalt  }
0x73: {  	_ =	shalt  }
0x74: {  	_ =	shalt  }
0x75: {  	_ =	shalt  }
0x76: {  	_ =	shalt  }
0x77: {  	_ =	shalt  }
0x78: {  	_ =	shalt  }
0x79: {  	_ =	shalt  }
0x7a: {  	_ =	shalt  }
0x7b: {  	_ =	shalt  }
0x7c: {  	_ =	shalt  }
0x7d: {  	_ =	shalt  }
0x7e: {  	_ =	shalt  }
0x7f: {  	_ =	shalt  }
0x80: {  	_ =	shalt  }
0x81: {  	_ =	shalt  }
0x82: {  	_ =	shalt  }
0x83: {  	_ =	shalt  }
0x84: {  	_ =	shalt  }
0x85: {  	_ =	shalt  }
0x86: {  	_ =	shalt  }
0x87: {  	_ =	shalt  }
.Lfunc_end0:
.L_simem_size_0:
called_computation.1_lowered:
.L_overlay_start_0:
0x88: {  	s2 =	sld [smem:$0x3FD9]  }
0x89: {  	s3 =	sld [smem:$0x3FFE];
	_ =	sdelay $0x1  }
0x8a: {  	s1 =	srdreg.scid  }
0x8b: {  	s0 =	sand.u32 $0x1, s1  }
0x8c: {  	s17 =	sshll.u32 s0, $0xA;
	s2 =	sadd.s32 s3, s2  }
0x8d: {  	s2 =	sadd.s32 s2, s17  }
0x8e: {  	[smem:$0x3FBD] =	sst s2  }
0x8f: {  	_ = 	snop  }
0x90: {  	s2 =	sld [smem:$0x3FD0];
	(tm) =	ssettm $0x1  }
0x91: {  	s18 =	sld [smem:$0x3FFB];
	_ =	sdelay $0x3  }
0x92: {  	_ =	strace s18  }
0x93: {  	s3 =	sld [smem:$0x3FFC];
	_ =	sdelay $0x3  }
0x94: {  	_ =	strace s3  }
0x95: {  	s3 =	sld [smem:$0x3FFD];
	_ =	sdelay $0x3  }
0x96: {  	_ =	strace s3  }
0x97: {  	_ =	strace $0x8FFFFFFF  }
0x98: {  	s19 =	sld [smem:$0x3FDB];
	_ =	sdelay $0x1  }
0x99: {  	s4 =	simm.s32 $_scs_section_size  }
0x9a: {  	s5 =	simm.s32 $_size__tile_overlayer_lowered;
	s6 =	simm.s32 $_tile_overlayer_lowered  }
0x9b: {  	s22 =	simm.s32 $0x1BFF;
	s21 =	sshll.u32 s6, $0x1;
	s3 =	sadd.s32 s4, s19  }
0x9c: {  	s7 =	simm.s32 $0x0;
	s20 =	sshll.u32 s5, $0x1;
	s5 =	sadd.s32 s21, s3  }
0x9d: {  	[timem:s7], [sflag:s22] =	dma.local [hbm:s5], s20  }
0x9e: {  	_ =	swait.ge [sflag:s22], s20  }
0x9f: {  	s4 =	ssub.s32 $0x0, s20;
	[sflag:s22] =	ssyncset.done $0x0  }
0xa0: {  	[sflag:s22] =	ssyncadd.s32 s4;
	_ =	sdelay $0x1  }
0xa1: {  	s23 =	simm.s32 $0x1B8B  }
0xa2: {  	_ =	swait.ge [sflag:s23], $0x1  }
0xa3: {  	[sflag:s23] =	ssyncset.done $0x0  }
0xa4: {  	s25 =	simm.s32 $0x1B8E;
	s24 =	sld [smem:$0x3FFE];
	[sflag:s23] =	ssyncadd.s32 $0xFFFFFFFF  }
0xa5: {  	s26 =	simm.s32 $execute0_lowered;
	[smem:$0x3FD2] =	sst s25  }
0xa6: {  	s5 =	sshll.u32 s26, $0x1;
	_ =	strace $0x80000049;
	[dreg:$0x1] =	wrdreg $0xFFFFFFFF  }
0xa7: {  	s28 =	simm.s32 $_size_execute0_lowered;
	s3 =	sadd.s32 s3, s5;
	[dreg:$0x0] =	wrdreg $0x0  }
0xa8: {  	s5 =	sshll.u32 s28, $0x1;
	[dreg:$0x2] =	wrdreg s3  }
0xa9: {  	[dreg:$0x3] =	wrdreg s5  }
0xaa: {  	[dreg:$0x4] =	wrdreg $0xC0  }
0xab: {  	_ =	task [dreg:s7], $0x5FFFF  }
0xac: {  	[dreg:$0x1] =	wrdreg $0xFFFFFFFF  }
0xad: {  	[dreg:$0x0] =	wrdreg $0x60  }
0xae: {  	[dreg:$0x2] =	wrdreg s24  }
0xaf: {  	[dreg:$0x3] =	wrdreg s2  }
0xb0: {  	[dreg:$0x4] =	wrdreg $0x61800  }
0xb1: {  	[dreg:$0x5] =	wrdreg $0x9  }
0xb2: {  	_ =	task.clear_ibuf [dreg:s7], $0x6FFFF;
	_ =	strace $0x90000049  }
0xb3: {  	s29 =	simm.s32 $0x9;
	_ =	strace $0x8000004B  }
0xb4: {  	_ =	swait.ge [sflag:s29], $0x1  }
0xb5: {  	[sflag:s29] =	ssyncadd.s32 $0xFFFFFFFF  }
0xb6: {  	_ =	strace $0x9000004B  }
0xb7: {  	_ =	sfence  }
0xb8: {  	s30 =	sld [smem:$0x0];
	_ =	sdelay $0x2  }
0xb9: {  	s31 =	sshll.u32 s1, $0xD;
	s1 =	sshrl.u32 s1, $0x2  }
0xba: {  	s3 =	sand.u32 $0x4000, s31;
	s1 =	sadd.s32 s1, s30  }
0xbb: {  	s0 =	sor.u32 s3, s0;
	s1 =	sshll.u32 s1, $0x11  }
0xbc: {  	s0 =	sor.u32 s1, s0  }
0xbd: {  	s0 =	sadd.s32 $0x8F2B, s0  }
0xbe: {  	[sflag:s0] =	ssyncadd.remote.s32 $0x1  }
0xbf: {  	_ =	sfence.sel $0xFFFF  }
0xc0: {  	[dreg:$0x0] =	wrdreg $0xFFFFFFFF;
	(pc) =	sbr.abs _section_cstart, $3  }
0xc1: {  	[dreg:$0x1] =	wrdreg $0xFFFFFFFF  }
0xc2: {  	_ =	task.clear_ibuf [dreg:s7], $0x2FFFF;
	_ =	strace $0x9FFFFFFF  }
0xc3: {  	(tm) =	ssettm $0x7FFFFFFF  }
tec
execute0_lowered:
.L_overlay_start_1:
0x0: {  	(tag) =	ssettag $0x1  }
0x1: {  	s0 =	rddreg [dreg:$0x0]  }
0x2: {  	s1 =	rddreg [dreg:$0x1]  }
0x3: {  	s2 =	rddreg [dreg:$0x2]  }
0x4: {  	s3 =	simm.s32 $0x0;
	s4 =	srdreg.scid;
	s11 =	stileid.u32  }
0x5: {  	s21 =	simm.s32 $0x180;
	s22 =	simm.s32 $0x2;
	s28 =	simm.s32 $0x1  }
0x6: {  	s29 =	simm.s32 $0x3980;
	s31 =	simm.s32 $0x0;
	[smem:$0x7FF] =	sst s3  }
0x7: {  	s5 =	sadd.s32 $0xA400, s0;
	s4 =	sand.u32 $0x1, s4;
	s6 =	sadd.s32 $0x600, s0  }
0x8: {  	s9 =	smul.u32 $0x14000, s11;
	s10 =	sadd.s32 $0x14C00, s0;
	s25 =	sshll.u32 s11, $0x7  }
0x9: {  	_ =	strace $0x8000004A;
	s8 =	smul.u32 $0x140000, s4;
	s7 =	sshll.u32 s4, $0x4  }
0xa: {  	[dreg:$0x4] =	wrdreg s10;
	s10 =	sand.u32 $0x380, s25;
	s4 =	ssub.s32 $0x2, s4  }
0xb: {  	s25 =	simm.s32 $0x100;
	s17 =	sor.u32 s11, s7;
	s7 =	sadd.s32 $0x14E00, s0  }
0xc: {  	s11 =	smul.u32 $0x50000, s11;
	s26 =	sshrl.u32 s4, $0x1;
	s23 =	sshrl.u32 s17, $0x3  }
0xd: {  	s8 =	sadd.s32 s9, s8;
	s4 =	ssub.s32 s4, s26;
	s24 =	smul.u32 $0x14000, s23  }
0xe: {  	s17 =	smul.u32 $0x2710, s17;
	s26 =	simm.s32 $0x50;
	s8 =	sshrl.u32 s8, $0x3  }
0xf: {  	s11 =	sshrl.u32 s11, $0x2;
	s8 =	sadd.s32 s8, s0;
	s9 =	sor.u32 s10, s24  }
0x10: {  	s20 =	smax.u32 s4, $0x1;
	s19 =	sadd.s32 $0x1EC00, s8;
	s9 =	sshrl.u32 s9, $0x3  }
0x11: {  	s24 =	simm.s32 $0x80;
	s0 =	sadd.s32 s9, s0;
	s9 =	sadd.s32 s11, s2  }
0x12: {  	s30 =	sadd.s32 $0x2800, s9;
	s11 =	sadd.s32 $0x5000, s9;
	s12 =	sadd.s32 $0x7800, s9  }
0x13: {  	s13 =	sadd.s32 $0xA000, s9;
	s14 =	sadd.s32 $0xC800, s9;
	s15 =	sadd.s32 $0xF000, s9  }
0x14: {  	v0 =	vimm.f32 $0.0e+00;
	s16 =	sadd.s32 $0x11800, s9;
	s18 =	sadd.s32 $0x6EC00, s0;
	[dreg:$0x5] =	wrdreg s30  }
.LBB2_1:
0x15: {  	s0 =	simm.s32 $0x0;
	s4 =	simm.s32 $0x200  }
.LBB2_2:
0x16: {  	p0 =	sne.s32 s4, $0x9E00;
	[tilespmem:s0+$0x1F0] =	vst v0  }
0x17: {  	[tilespmem:s0+$0x180] =	vst v0  }
0x18: {  	[tilespmem:s0+$0x190] =	vst v0  }
.Ltmp0:
0x19: {  	[tilespmem:s0+$0x1A0] =	vst v0;
	(pc) =	sbr.rel @p0 .LBB2_2-.Ltmp0, $4  }
0x1a: {  	[tilespmem:s0+$0x1B0] =	vst v0  }
0x1b: {  	[tilespmem:s0+$0x1C0] =	vst v0  }
0x1c: {  	[tilespmem:s0+$0x1D0] =	vst v0  }
0x1d: {  	[tilespmem:s0+$0x1E0] =	vst v0;
	s0 =	sshra.s32 s4, $0x2;
	s4 =	sadd.s32 $0x200, s4  }
0x1e: {  	[tilespmem:s0+$0x1F0] =	vst v0  }
0x1f: {  	[tilespmem:s0+$0x180] =	vst v0  }
0x20: {  	[tilespmem:s0+$0x190] =	vst v0  }
0x21: {  	[tilespmem:s0+$0x1A0] =	vst v0  }
0x22: {  	[tilespmem:s0+$0x1B0] =	vst v0  }
0x23: {  	[tilespmem:s0+$0x1C0] =	vst v0  }
0x24: {  	[tilespmem:s0+$0x1D0] =	vst v0  }
0x25: {  	[tilespmem:s0+$0x1E0] =	vst v0  }
0x26: {  	[spmem:s9] =	stream.linear.scatter [tilespmem:s21], [sflag:$0x2], $0x2800, $0x38;
	[tilespmem:$0x1A180] =	vst v63  }
0x27: {  	_ =	swait.ge [sflag:s22], $0x2800  }
0x28: {  	[sflag:s22] =	ssyncset.done $0x0  }
0x29: {  	s30 =	rddreg [dreg:$0x5];
	[sflag:s22] =	ssyncadd.s32 $0xFFFFD800  }
0x2a: {  	[spmem:s30] =	stream.linear.scatter [tilespmem:s21], [sflag:$0x2], $0x2800, $0x38;
	[tilespmem:$0x1A180] =	vst v63  }
0x2b: {  	_ =	swait.ge [sflag:s22], $0x2800  }
0x2c: {  	[sflag:s22] =	ssyncset.done $0x0  }
0x2d: {  	[sflag:s22] =	ssyncadd.s32 $0xFFFFD800  }
0x2e: {  	[spmem:s11] =	stream.linear.scatter [tilespmem:s21], [sflag:$0x2], $0x2800, $0x38;
	[tilespmem:$0x1A180] =	vst v63  }
0x2f: {  	_ =	swait.ge [sflag:s22], $0x2800  }
0x30: {  	[sflag:s22] =	ssyncset.done $0x0  }
0x31: {  	[sflag:s22] =	ssyncadd.s32 $0xFFFFD800  }
0x32: {  	[spmem:s12] =	stream.linear.scatter [tilespmem:s21], [sflag:$0x2], $0x2800, $0x38;
	[tilespmem:$0x1A180] =	vst v63  }
0x33: {  	_ =	swait.ge [sflag:s22], $0x2800  }
0x34: {  	[sflag:s22] =	ssyncset.done $0x0  }
0x35: {  	[sflag:s22] =	ssyncadd.s32 $0xFFFFD800  }
0x36: {  	[spmem:s13] =	stream.linear.scatter [tilespmem:s21], [sflag:$0x2], $0x2800, $0x38;
	[tilespmem:$0x1A180] =	vst v63  }
0x37: {  	_ =	swait.ge [sflag:s22], $0x2800  }
0x38: {  	[sflag:s22] =	ssyncset.done $0x0  }
0x39: {  	[sflag:s22] =	ssyncadd.s32 $0xFFFFD800  }
0x3a: {  	[spmem:s14] =	stream.linear.scatter [tilespmem:s21], [sflag:$0x2], $0x2800, $0x38;
	[tilespmem:$0x1A180] =	vst v63  }
0x3b: {  	_ =	swait.ge [sflag:s22], $0x2800  }
0x3c: {  	[sflag:s22] =	ssyncset.done $0x0  }
0x3d: {  	[sflag:s22] =	ssyncadd.s32 $0xFFFFD800  }
0x3e: {  	[spmem:s15] =	stream.linear.scatter [tilespmem:s21], [sflag:$0x2], $0x2800, $0x38;
	[tilespmem:$0x1A180] =	vst v63  }
0x3f: {  	_ =	swait.ge [sflag:s22], $0x2800  }
0x40: {  	[sflag:s22] =	ssyncset.done $0x0  }
0x41: {  	[sflag:s22] =	ssyncadd.s32 $0xFFFFD800  }
0x42: {  	[spmem:s16] =	stream.linear.scatter [tilespmem:s21], [sflag:$0x2], $0x2800, $0x38;
	[tilespmem:$0x1A180] =	vst v63  }
0x43: {  	_ =	swait.ge [sflag:s22], $0x2800  }
0x44: {  	[sflag:s22] =	ssyncset.done $0x0  }
0x45: {  	s0 =	simm.s32 $0x40;
	s4 =	simm.s32 $0x0;
	[sflag:s22] =	ssyncadd.s32 $0xFFFFD800  }
.LBB2_4:
0x46: {  	p0 =	sne.s32 s0, $0x9FC0;
	[tilespmem:s4+$0x3980] =	vst v0;
	s4 =	smov.u32 s0;
	s0 =	sadd.s32 $0x40, s0  }
.Ltmp1:
0x47: {  	(pc) =	sbr.rel @p0 .LBB2_4-.Ltmp1, $2  }
0x48: {  	_ =	sdelay $0x2  }
0x49: {  	s4 =	sshra.s32 s4, $0x2  }
0x4a: {  	[tilespmem:s4+$0x3980] =	vst v0  }
0x4b: {  	[bflag:$0x0] =	sbarrier.arrive $0xFFFF  }
0x4c: {  	s0 =	simm.s32 $0x0;
	s8 =	simm.s32 $0x2980;
	s30 =	rddreg [dreg:$0x4]  }
0x4d: {  	[tilespmem:s8], [sflag:$0x2] =	stream.linear.gather [hbm4b:s30+s0], $0x1000, $0x38;
	[tilespmem:$0x1A180] =	vst v63  }
0x4e: {  	_ =	swait.ge [sflag:s22], $0x1000  }
0x4f: {  	[sflag:s22] =	ssyncset.done $0x0  }
0x50: {  	[sflag:s22] =	ssyncadd.s32 $0xFFFFF000  }
0x51: {  	v1 =	vld [tilespmem:$0x2980]  }
0x52: {  	v2 =	vld [tilespmem:$0x2A00]  }
0x53: {  	v3 =	vld [tilespmem:$0x2A80]  }
0x54: {  	v4 =	vld [tilespmem:$0x2B00]  }
0x55: {  	v5 =	vld [tilespmem:$0x2B80]  }
0x56: {  	v6 =	vld [tilespmem:$0x2C00];
	v1 =	vmax.f32 v1, $-3.000000010e+38  }
0x57: {  	v1 =	vmax.f32 v1, v2;
	v2 =	vld [tilespmem:$0x2C80]  }
0x58: {  	v1 =	vmax.f32 v1, v3;
	v3 =	vld [tilespmem:$0x2D00]  }
0x59: {  	v49 =	vld [tilespmem:$0x2D80];
	v1 =	vmax.f32 v1, v4  }
0x5a: {  	v50 =	vld [tilespmem:$0x2E00];
	v1 =	vmax.f32 v1, v5  }
0x5b: {  	v51 =	vld [tilespmem:$0x2E80];
	v1 =	vmax.f32 v1, v6  }
0x5c: {  	v1 =	vmax.f32 v1, v2;
	v2 =	vld [tilespmem:$0x2F00]  }
0x5d: {  	v1 =	vmax.f32 v1, v3;
	v3 =	vld [tilespmem:$0x2F80]  }
0x5e: {  	v52 =	vld [tilespmem:$0x3000];
	v1 =	vmax.f32 v1, v49  }
0x5f: {  	v53 =	vld [tilespmem:$0x3080];
	v1 =	vmax.f32 v1, v50  }
0x60: {  	v54 =	vld [tilespmem:$0x3100];
	v1 =	vmax.f32 v1, v51  }
0x61: {  	v1 =	vmax.f32 v1, v2;
	v2 =	vld [tilespmem:$0x3180]  }
0x62: {  	v1 =	vmax.f32 v1, v3;
	v3 =	vld [tilespmem:$0x3200]  }
0x63: {  	v55 =	vld [tilespmem:$0x3280];
	v1 =	vmax.f32 v1, v52  }
0x64: {  	v56 =	vld [tilespmem:$0x3300];
	v1 =	vmax.f32 v1, v53  }
0x65: {  	v57 =	vld [tilespmem:$0x3380];
	v1 =	vmax.f32 v1, v54  }
0x66: {  	v1 =	vmax.f32 v1, v2;
	v2 =	vld [tilespmem:$0x3400]  }
0x67: {  	v1 =	vmax.f32 v1, v3;
	v3 =	vld [tilespmem:$0x3480]  }
0x68: {  	v58 =	vld [tilespmem:$0x3500];
	v1 =	vmax.f32 v1, v55  }
0x69: {  	v59 =	vld [tilespmem:$0x3580];
	v1 =	vmax.f32 v1, v56  }
0x6a: {  	v60 =	vld [tilespmem:$0x3600];
	v1 =	vmax.f32 v1, v57  }
0x6b: {  	v1 =	vmax.f32 v1, v2;
	v2 =	vld [tilespmem:$0x3680]  }
0x6c: {  	v1 =	vmax.f32 v1, v3;
	v3 =	vld [tilespmem:$0x3700]  }
0x6d: {  	v61 =	vld [tilespmem:$0x3780];
	v1 =	vmax.f32 v1, v58  }
0x6e: {  	v62 =	vld [tilespmem:$0x3800];
	v1 =	vmax.f32 v1, v59  }
0x6f: {  	v63 =	vld [tilespmem:$0x3880];
	v1 =	vmax.f32 v1, v60  }
0x70: {  	v1 =	vmax.f32 v1, v2;
	v2 =	vld [tilespmem:$0x3900]  }
0x71: {  	v1 =	vmax.f32 v1, v3  }
0x72: {  	v1 =	vmax.f32 v1, v61  }
0x73: {  	v1 =	vmax.f32 v1, v62  }
0x74: {  	v1 =	vmax.f32 v1, v63  }
0x75: {  	v1 =	vmax.f32 v1, v2  }
0x76: {  	(xrf0) =	vmax.scan.msk.f32 $0xffff, v1;
	_ =	sdelay $0x5  }
0x77: {  	v1, _, _ =	vpop (xrf0)  }
0x78: {  	s23 =	simm.s32 $0x0;
	v1 =	vbroadcast v1, $0xF  }
.LBB2_6:
0x79: {  	s4 =	smul.u32 $0x50, s23;
	_ =	sdelay $0x1  }
0x7a: {  	s4 =	sadd.s32 s17, s4  }
0x7b: {  	s4 =	sshrl.u32 s4, $0x3  }
0x7c: {  	s8 =	sadd.s32 s5, s4  }
0x7d: {  	[tilespmem:s0], [sflag:$0x2] =	stream.linear.gather [hbm4b:s8+s0], $0x50, $0x38;
	[tilespmem:$0x1A180] =	vst v63  }
0x7e: {  	_ =	swait.ge [sflag:s22], $0x50  }
0x7f: {  	[sflag:s22] =	ssyncset.done $0x0  }
0x80: {  	s10 =	sadd.s32 s6, s4;
	[sflag:s22] =	ssyncadd.s32 $0xFFFFFFB0  }
0x81: {  	[tilespmem:s24], [sflag:$0x2] =	stream.linear.gather [hbm4b:s10+s0], $0x50, $0x38;
	[tilespmem:$0x1A180] =	vst v63  }
0x82: {  	_ =	swait.ge [sflag:s22], $0x50  }
0x83: {  	[sflag:s22] =	ssyncset.done $0x0  }
0x84: {  	s4 =	sadd.s32 s7, s4;
	[sflag:s22] =	ssyncadd.s32 $0xFFFFFFB0  }
0x85: {  	[tilespmem:s25], [sflag:$0x2] =	stream.linear.gather [hbm4b:s4+s0], $0x50, $0x38;
	[tilespmem:$0x1A180] =	vst v63  }
0x86: {  	_ =	swait.ge [sflag:s22], $0x50  }
0x87: {  	[sflag:s22] =	ssyncset.done $0x0  }
0x88: {  	[sflag:s22] =	ssyncadd.s32 $0xFFFFFFB0  }
0x89: {  	[tilespmem:s21], [sflag:$0x1] =	stream.indirect.gather [hbm4b:s1+s26], $0x80, s24, s26, $0xb8;
	[tilespmem:$0x1A180] =	vst v63  }
0x8a: {  	_ =	swait.ge [sflag:s28], $0x2800  }
0x8b: {  	[sflag:s28] =	ssyncset.done $0x0  }
0x8c: {  	[sflag:s28] =	ssyncadd.s32 $0xFFFFD800  }
0x8d: {  	v2 =	vld [tilespmem:$0x100]  }
0x8e: {  	v3 =	vld [tilespmem:$0x110]  }
0x8f: {  	v4 =	vld [tilespmem:$0x120]  }
0x90: {  	v5 =	vld [tilespmem:$0x130]  }
0x91: {  	v6 =	vld [tilespmem:$0x140]  }
0x92: {  	v2 =	vsub.f32 v2, v1  }
0x93: {  	v3 =	vsub.f32 v3, v1  }
0x94: {  	v4 =	vsub.f32 v4, v1;
	v2 =	vmul.f32 $1.442695020e+00, v2  }
0x95: {  	v5 =	vsub.f32 v5, v1;
	v3 =	vmul.f32 $1.442695020e+00, v3  }
0x96: {  	(erf) = vpow2.f32 v2;
	v2 =	vmul.f32 $1.442695020e+00, v4;
	v4 =	vsub.f32 v6, v1  }
0x97: {  	(erf) = vpow2.f32 v3;
	v3 =	vmul.f32 $1.442695020e+00, v5  }
0x98: {  	(erf) = vpow2.f32 v2;
	v2 =	vmul.f32 $1.442695020e+00, v4  }
0x99: {  	(erf) = vpow2.f32 v3  }
0x9a: {  	(erf) = vpow2.f32 v2;
	_ =	sdelay $0x4  }
0x9b: {  	v2 =	vpop (erf)  }
0x9c: {  	v3 =	vpop (erf);
	[tilespmem:$0x100] =	vst v2  }
0x9d: {  	v2 =	vpop (erf);
	[tilespmem:$0x110] =	vst v3  }
0x9e: {  	v3 =	vpop (erf);
	[tilespmem:$0x120] =	vst v2  }
0x9f: {  	[tilespmem:$0x130] =	vst v3;
	v3 =	vpop (erf)  }
0xa0: {  	s4 =	simm.s32 $0x1C0;
	[tilespmem:$0x140] =	vst v3  }
0xa1: {  	v2 =	vmov s0;
	v6 =	vld [tilespmem:s4+$0x20]  }
0xa2: {  	v9 =	vld [tilespmem:s4+$0xFFFFFFD0]  }
0xa3: {  	v7 =	vld [tilespmem:s4+$0xFFFFFFC0]  }
0xa4: {  	v5 =	vld [tilespmem:s4+$0x0]  }
0xa5: {  	v11 =	vld [tilespmem:s4+$0xFFFFFFF0]  }
0xa6: {  	v3 =	vld.idx.msk [tilespmem:v2+s25+$0x0], $0xffff  }
0xa7: {  	v4 =	vld [tilespmem:s4+$0x30]  }
0xa8: {  	v10 =	vld [tilespmem:s4+$0x10]  }
0xa9: {  	s30 =	simm.s32 $0x1C0;
	s8 =	simm.s32 $0x1;
	v8 =	vld [tilespmem:s4+$0xFFFFFFE0]  }
.LBB2_7:
0xaa: {  	p0 =	sne.s32 s8, $0x4F  }
0xab: {  	v9 =	vmul.f32 v9, v3;
	v6 =	vmul.f32 v6, v3;
	s4 =	sadd.s32 $0x80, s4;
	s10 =	smov.u32 s8;
	s8 =	sadd.s32 $0x1, s8  }
0xac: {  	v7 =	vmul.f32 v7, v3;
	v11 =	vmul.f32 v11, v3  }
0xad: {  	[tilespmem:s30+$0xFFFFFFD0] =	vst v9  }
0xae: {  	[tilespmem:s30+$0xFFFFFFC0] =	vst v7;
	v7 =	vmul.f32 v10, v3  }
0xaf: {  	v5 =	vmul.f32 v5, v3;
	v8 =	vmul.f32 v8, v3;
	[tilespmem:s30+$0xFFFFFFF0] =	vst v11  }
0xb0: {  	v4 =	vmul.f32 v4, v3;
	[tilespmem:s30+$0x10] =	vst v7  }
0xb1: {  	v7 =	vmov s10;
	[tilespmem:s30+$0x0] =	vst v5  }
0xb2: {  	[tilespmem:s30+$0x20] =	vst v6  }
0xb3: {  	[tilespmem:s30+$0xFFFFFFE0] =	vst v8  }
0xb4: {  	[tilespmem:s30+$0x30] =	vst v4;
	s30 =	smov.u32 s4  }
0xb5: {  	v4 =	vld.idx.msk [tilespmem:v2+s3+$0x0], $0xffff;
	v2 =	vmov v7;
	_ =	sdelay $0x7  }
0xb6: {  	v5 =	vld.idx.msk [tilespmem:v4+s29+$0x0], $0xffff;
	_ =	sdelay $0x5  }
0xb7: {  	v3 =	vadd.f32 v5, v3;
	_ =	sdelay $0x1  }
0xb8: {  	[tilespmem:v4+s29+$0x0] =	vst.idx.msk $0xffff, v3  }
0xb9: {  	v6 =	vld [tilespmem:s4+$0x20]  }
0xba: {  	v9 =	vld [tilespmem:s4+$0xFFFFFFD0]  }
0xbb: {  	v7 =	vld [tilespmem:s4+$0xFFFFFFC0]  }
0xbc: {  	v3 =	vld.idx.msk [tilespmem:v2+s25+$0x0], $0xffff  }
.Ltmp2:
0xbd: {  	v5 =	vld [tilespmem:s4+$0x0];
	(pc) =	sbr.rel @p0 .LBB2_7-.Ltmp2, $4  }
0xbe: {  	v11 =	vld [tilespmem:s4+$0xFFFFFFF0]  }
0xbf: {  	v4 =	vld [tilespmem:s4+$0x30]  }
0xc0: {  	v10 =	vld [tilespmem:s4+$0x10]  }
0xc1: {  	v8 =	vld [tilespmem:s4+$0xFFFFFFE0]  }
0xc2: {  	v9 =	vmul.f32 v9, v3  }
0xc3: {  	v7 =	vmul.f32 v7, v3  }
0xc4: {  	v5 =	vmul.f32 v5, v3;
	[tilespmem:s30+$0xFFFFFFD0] =	vst v9  }
0xc5: {  	v6 =	vmul.f32 v6, v3;
	[tilespmem:s30+$0xFFFFFFC0] =	vst v7  }
0xc6: {  	v11 =	vmul.f32 v11, v3;
	[tilespmem:s30+$0x0] =	vst v5  }
0xc7: {  	v4 =	vmul.f32 v4, v3;
	[tilespmem:s30+$0x20] =	vst v6  }
0xc8: {  	v62 =	vmul.f32 v10, v3;
	[tilespmem:s30+$0xFFFFFFF0] =	vst v11  }
0xc9: {  	v63 =	vmul.f32 v8, v3;
	[tilespmem:s30+$0x30] =	vst v4  }
0xca: {  	[tilespmem:s30+$0x10] =	vst v62  }
0xcb: {  	[tilespmem:s30+$0xFFFFFFE0] =	vst v63  }
0xcc: {  	v2 =	vld.idx.msk [tilespmem:v2+s3+$0x0], $0xffff;
	_ =	sdelay $0x7  }
0xcd: {  	v4 =	vld.idx.msk [tilespmem:v2+s29+$0x0], $0xffff;
	_ =	sdelay $0x4  }
0xce: {  	s23 =	sadd.s32 $0x1, s23;
	v3 =	vadd.f32 v4, v3  }
0xcf: {  	p0 =	sne.s32 s23, $0x7D  }
.Ltmp3:
0xd0: {  	[tilespmem:v2+s29+$0x0] =	vst.idx.msk $0xffff, v3;
	(pc) =	sbr.rel @p0 .LBB2_6-.Ltmp3, $4  }
0xd1: {  	[spmem:s2] =	stream.indirect.scatter.add.f32 [tilespmem:s21], [sflag:$0x2], $0x80, s3, s26, $0xb8;
	[tilespmem:$0x1A180] =	vst v63  }
0xd2: {  	_ =	swait.ge [sflag:s22], $0x2800  }
0xd3: {  	[sflag:s22] =	ssyncset.done $0x0  }
0xd4: {  	[sflag:s22] =	ssyncadd.s32 $0xFFFFD800  }
0xd5: {  	s0 =	simm.s32 $0x400  }
0xd6: {  	[hbm4b:s18+s24] =	stream.strided.scatter [tilespmem:s29], [sflag:$0x2], $0x2800, s0, s24, $0x38;
	[tilespmem:$0x1A180] =	vst v63  }
0xd7: {  	s30 =	stileid.u32;
	_ =	swait.ge [sflag:s22], $0x2800  }
0xd8: {  	s4 =	sshrl.u32 s9, $0x3;
	s31 =	sadd.s32 $0x1, s31;
	[sflag:s22] =	ssyncset.done $0x0  }
0xd9: {  	s0 =	sshll.u32 s30, $0x6;
	p0 =	sne.s32 s31, s20;
	[sflag:s22] =	ssyncadd.s32 $0xFFFFD800  }
.Ltmp4:
0xda: {  	s0 =	sor.u32 $0x1C02, s0;
	[bflag:$0x0] =	sbarrier.arrive $0xFFFF;
	(pc) =	sbr.rel @p0 .LBB2_1-.Ltmp4, $4  }
0xdb: {  	[hbm:s19], [sflag:s0] =	dma.local [spmem:s4], $0x2800  }
0xdc: {  	_ =	swait.ge [sflag:s22], $0x2800  }
0xdd: {  	[sflag:s22] =	ssyncset.done $0x0  }
0xde: {  	[sflag:s22] =	ssyncadd.s32 $0xFFFFD800  }
0xdf: {  	_ =	sfence.sel $0x180000  }
0xe0: {  	[bflag:$0x0] =	sbarrier.arrive $0xFFFF  }
0xe1: {  	_ =	strace $0x9000004A  }
0xe2: {  	s0 =	stileid.u32;
	[bflag:$0x2] =	sbarrier.arrive $0xFFFF  }
0xe3: {  	p0 =	sne.s32 s0, $0x0;
	s0 =	rddreg [dreg:$0x3]  }
0xe4: {  	s0 =	sadd.s32 @!p0 $0x100000, s0  }
0xe5: {  	[sflag:s0] =	ssyncadd.tile.s32 @!p0 $0x1;
	_ =	shalt  }
.Lfunc_end2:
_tile_overlayer_lowered:
.L_overlay_start_2:
0xe6: {  	(tag) =	ssettag $0x2  }
0xe7: {  	s0 =	rddreg [dreg:$0x0];
	s2 =	stileid.u32  }
0xe8: {  	s1 =	rddreg [dreg:$0x1];
	p0 =	sne.s32 s2, $0x0  }
0xe9: {  	s3 =	rddreg [dreg:$0x2];
	[bflag:$0x3] =	sbarrier.arrive $0xFFFF;
	s2 =	simm.s32 @!p0 $0x1C02  }
0xea: {  	[timem:s3], [sflag:s2] =	dma.local @!p0 [hbm:s0], s1  }
0xeb: {  	s0 =	simm.s32 @!p0 $0x2  }
0xec: {  	_ =	swait.ge @!p0 [sflag:s0], s1  }
0xed: {  	s1 =	ssub.s32 @!p0 $0x0, s1;
	[sflag:s0] =	ssyncset.done @!p0 $0x0  }
0xee: {  	[sflag:s0] =	ssyncadd.s32 @!p0 s1  }
0xef: {  	[bflag:$0x3] =	sbarrier.arrive $0xFFFF  }
0xf0: {  	_ =	shalt  }

</sc_bundles>
